<compile_context>
chip_gen: v7x
topology: tpu7x:2x2x1
jax: 0.10.2.dev20260603
libtpu: 0.0.44.dev20260713+nightly
codegen_flags: <defaults>
</compile_context>

<pallas_src>
import functools

import jax
import jax.numpy as jnp
from jax import lax
from jax.experimental import pallas as pl
from jax.experimental.pallas import tpu as pltpu
from jax.experimental.pallas import tpu_sc as plsc

N_CONCEPTS = 1000000
NLAYERS = 2
HIDDEN = 64
BATCH = 16384

_info = plsc.get_sparse_core_info()
NC = _info.num_cores
NS = _info.num_subcores
NW = NC * NS
B_PER_W = BATCH // NW
CHUNK = 128
NCHUNK = B_PER_W // CHUNK


NBUF = 6
NGATHER = 2 * NCHUNK


def _sc_body(x_ref, c_ref, h_ref, c_out, h_out, idx_v, bufs, gsems, wsems):
    wid = lax.axis_index("s") * NC + lax.axis_index("c")
    row0 = pl.multiple_of((wid // 2) * (2 * NCHUNK), 8)
    pltpu.sync_copy(x_ref.at[pl.ds(row0, 2 * NCHUNK), :], idx_v)

    tables = (c_ref, h_ref)
    outs = (c_out, h_out)

    def start_gather(g):
        t, j = divmod(g, NCHUNK)
        b = g % NBUF
        return pltpu.async_copy(
            tables[t].at[idx_v.at[(wid % 2) * NCHUNK + j]],
            bufs.at[b],
            gsems.at[b],
        )

    gh = [start_gather(g) for g in range(NBUF)]
    gh += [None] * (NGATHER - NBUF)
    wh = [None] * NBUF

    for g in range(NGATHER):
        t, j = divmod(g, NCHUNK)
        b = g % NBUF
        gh[g].wait()
        base = wid * B_PER_W + j * CHUNK
        wh[b] = pltpu.async_copy(
            bufs.at[b], outs[t].at[pl.ds(base, CHUNK), :], wsems.at[b]
        )
        ng = g + 3
        if NBUF <= ng < NGATHER:
            wh[ng % NBUF].wait()
            gh[ng] = start_gather(ng)
    for g in range(NGATHER - NBUF, NGATHER):
        wh[g % NBUF].wait()


@functools.partial(jax.jit, static_argnums=())
def kernel(x, c_table, h_table):
    x3 = x.reshape(BATCH // CHUNK, CHUNK)
    out_sds = jax.ShapeDtypeStruct((BATCH, NLAYERS * HIDDEN), jnp.float32)
    run = pl.kernel(
        _sc_body,
        out_type=(out_sds, out_sds),
        mesh=plsc.VectorSubcoreMesh(core_axis_name="c", subcore_axis_name="s"),
        scratch_types=[
            pltpu.VMEM((2 * NCHUNK, CHUNK), jnp.int32),
            pltpu.VMEM((NBUF, CHUNK, NLAYERS * HIDDEN), jnp.float32),
            pltpu.SemaphoreType.DMA((NBUF,)),
            pltpu.SemaphoreType.DMA((NBUF,)),
        ],
    )
    c_rows, h_rows = run(x3, c_table, h_table)
    c_init = jnp.swapaxes(c_rows.reshape(BATCH, NLAYERS, HIDDEN), 0, 1)
    h_init = jnp.swapaxes(h_rows.reshape(BATCH, NLAYERS, HIDDEN), 0, 1)
    return (c_init, h_init)

# --- scband reference (transcript-rebuilt; emitter-appended) ---
"""Pipeline reference for scband-one-hot-context-26414048870669 (READ-ONLY COPY).

The authoritative reference and input builder live on the scoring server;
editing this copy changes nothing except your own understanding.
"""

import jax, jax.numpy as jnp
import numpy as np

N_CONCEPTS = 1000000
NLAYERS = 2
HIDDEN = 64
BATCH = 16384

def setup_inputs(seed: int = 0) -> dict:
    key = jax.random.key(seed)
    k1, k2, k3 = jax.random.split(key, 3)
    x = jax.random.randint(k1, (BATCH,), 0, N_CONCEPTS, dtype=jnp.int64 if jax.config.jax_enable_x64 else jnp.int32).astype(jnp.int32)
    c_table = jax.random.normal(k2, (N_CONCEPTS, NLAYERS * HIDDEN), dtype=jnp.float32) * 0.02
    h_table = jax.random.normal(k3, (N_CONCEPTS, NLAYERS * HIDDEN), dtype=jnp.float32) * 0.02
    return {"x": x, "c_table": c_table, "h_table": h_table}

def reference(x, c_table, h_table):
    batch_size = x.shape[0]
    # embedding lookup -> reshape (B, nlayers, hidden) -> transpose to (nlayers, B, hidden)
    c_init = jnp.take(c_table, x, axis=0).reshape(batch_size, NLAYERS, HIDDEN)
    c_init = jnp.transpose(c_init, (1, 0, 2))
    h_init = jnp.take(h_table, x, axis=0).reshape(batch_size, NLAYERS, HIDDEN)
    h_init = jnp.transpose(h_init, (1, 0, 2))
    # dropout is identity at inference (eval mode)
    return (c_init, h_init)

if __name__ == "__main__":
    import jax
    _d = setup_inputs()
    print(jax.jit(kernel)(*tuple(_d.values())))

</pallas_src>

<mosaic_0001>
#map = affine_map<(d0, d1) -> (0, 0)>
module attributes {stable_mosaic.version = 14 : i64} {
  func.func @_sc_body(%arg0: i32, %arg1: i32, %arg2: memref<128x128xi32, #tpu.memory_space<hbm>>, %arg3: memref<1000000x128xf32, #tpu.memory_space<hbm>>, %arg4: memref<1000000x128xf32, #tpu.memory_space<hbm>>, %arg5: memref<16384x128xf32, #tpu.memory_space<hbm>>, %arg6: memref<16384x128xf32, #tpu.memory_space<hbm>>, %arg7: memref<8x128xi32, #tpu.memory_space<vmem>>, %arg8: memref<6x128x128xf32, #tpu.memory_space<vmem>>, %arg9: memref<6x!tpu.dma_semaphore, #tpu.memory_space<semaphore_mem>>, %arg10: memref<6x!tpu.dma_semaphore, #tpu.memory_space<semaphore_mem>>) attributes {dimension_semantics = [#tpu.dimension_semantics<core_parallel>, #tpu.dimension_semantics<subcore_parallel>], iteration_bounds = array<i64: 2, 16>, scalar_prefetch = 0 : i64, scratch_operands = 4 : i64, tpu.core_type = #tpu.core_type<sc_vector_subcore>, window_params = [{transform_indices = #map}, {transform_indices = #map}, {transform_indices = #map}, {transform_indices = #map}, {transform_indices = #map}]} {
    %mul3A = arith.constant 2 : i32
    %mul3A_0 = arith.muli %arg1, %mul3A : i32
    %add3A = arith.addi %mul3A_0, %arg0 : i32
    %jit3A = arith.constant 2 : i32
    %div3A = arith.divsi %add3A, %jit3A : i32
    %sign3A = arith.constant 0 : i32
    %sign3A_1 = arith.cmpi sgt, %add3A, %sign3A : i32
    %sign3A_2 = arith.extui %sign3A_1 : i1 to i32
    %sign3A_3 = arith.constant 0 : i32
    %sign3A_4 = arith.cmpi slt, %add3A, %sign3A_3 : i32
    %sign3A_5 = arith.extui %sign3A_4 : i1 to i32
    %sign3A_6 = arith.subi %sign3A_2, %sign3A_5 : i32
    %sign3A_7 = arith.constant 0 : i32
    %sign3A_8 = arith.cmpi sgt, %jit3A, %sign3A_7 : i32
    %sign3A_9 = arith.extui %sign3A_8 : i1 to i32
    %sign3A_10 = arith.constant 0 : i32
    %sign3A_11 = arith.cmpi slt, %jit3A, %sign3A_10 : i32
    %sign3A_12 = arith.extui %sign3A_11 : i1 to i32
    %sign3A_13 = arith.subi %sign3A_9, %sign3A_12 : i32
    %ne3A = arith.cmpi ne, %sign3A_6, %sign3A_13 : i32
    %rem3A = arith.remsi %add3A, %jit3A : i32
    %ne3A_14 = arith.constant 0 : i32
    %ne3A_15 = arith.cmpi ne, %rem3A, %ne3A_14 : i32
    %and3A = arith.andi %ne3A, %ne3A_15 : i1
    %sub3A = arith.constant 1 : i32
    %sub3A_16 = arith.subi %div3A, %sub3A : i32
    %select_n3A = arith.select %and3A, %sub3A_16, %div3A : i32
    %mul3A_17 = arith.constant 8 : i32
    %mul3A_18 = arith.muli %select_n3A, %mul3A_17 : i32
    %multiple_of3A = tpu.assume_multiple %mul3A_18, 8 : i32
    "tpu.region"() ({
      %run_scoped3A = tpu.sem_alloc : memref<!tpu.dma_semaphore, #tpu.memory_space<semaphore_mem>>
      %dma_start3A_687 = arith.constant 0 : i32
      %dma_start3A_688 = tpu.memref_slice %arg2[%multiple_of3A, %dma_start3A_687] : memref<128x128xi32, #tpu.memory_space<hbm>> -> memref<8x128xi32, #tpu.memory_space<hbm>>
      %dma_start3A_689 = arith.constant 0 : i32
      %dma_start3A_690 = tpu.memref_slice %arg2[%multiple_of3A, %dma_start3A_689] : memref<128x128xi32, #tpu.memory_space<hbm>> -> memref<8x128xi32, #tpu.memory_space<hbm>>
      tpu.enqueue_dma source(%dma_start3A_690 : memref<8x128xi32, #tpu.memory_space<hbm>>) target(%arg7 : memref<8x128xi32, #tpu.memory_space<vmem>>) target_semaphore(%run_scoped3A : memref<!tpu.dma_semaphore, #tpu.memory_space<semaphore_mem>>)
      %dma_wait3A_691 = arith.constant 0 : i32
      %dma_wait3A_692 = tpu.memref_slice %arg2[%multiple_of3A, %dma_wait3A_691] : memref<128x128xi32, #tpu.memory_space<hbm>> -> memref<8x128xi32, #tpu.memory_space<hbm>>
      %dma_wait3A_693 = arith.constant 0 : i32
      %dma_wait3A_694 = tpu.memref_slice %arg2[%multiple_of3A, %dma_wait3A_693] : memref<128x128xi32, #tpu.memory_space<hbm>> -> memref<8x128xi32, #tpu.memory_space<hbm>>
      tpu.wait_dma2 semaphore(%run_scoped3A : memref<!tpu.dma_semaphore, #tpu.memory_space<semaphore_mem>>) src(%dma_wait3A_694 : memref<8x128xi32, #tpu.memory_space<hbm>>) dst(%arg7 : memref<8x128xi32, #tpu.memory_space<vmem>>)
      tpu.yield
    }) : () -> ()
    %jit3A_19 = arith.constant 2 : i32
    %eq3A = arith.constant 0 : i32
    %eq3A_20 = arith.cmpi eq, %jit3A_19, %eq3A : i32
    %jit3A_21 = arith.constant 1 : i32
    %select_n3A_22 = arith.select %eq3A_20, %jit3A_21, %jit3A_19 : i32
    %rem3A_23 = arith.remsi %add3A, %select_n3A_22 : i32
    %ne3A_24 = arith.constant 0 : i32
    %ne3A_25 = arith.cmpi ne, %rem3A_23, %ne3A_24 : i32
    %lt3A = arith.constant 0 : i32
    %lt3A_26 = arith.cmpi slt, %rem3A_23, %lt3A : i32
    %lt3A_27 = arith.constant 0 : i32
    %lt3A_28 = arith.cmpi slt, %select_n3A_22, %lt3A_27 : i32
    %ne3A_29 = arith.xori %lt3A_26, %lt3A_28 : i1
    %and3A_30 = arith.andi %ne3A_29, %ne3A_25 : i1
    %add3A_31 = arith.addi %rem3A_23, %select_n3A_22 : i32
    %select_n3A_32 = arith.select %and3A_30, %add3A_31, %rem3A_23 : i32
    %mul3A_33 = arith.constant 4 : i32
    %mul3A_34 = arith.muli %select_n3A_32, %mul3A_33 : i32
    %add3A_35 = arith.constant 0 : i32
    %add3A_36 = arith.addi %mul3A_34, %add3A_35 : i32
    %dma_start3A = arith.constant 0 : i32
    %dma_start3A_37 = arith.constant 0 : i32
    %dma_start3A_38 = arith.constant 0 : i32
    %dma_start3A_39 = arith.constant 0 : i32
    %dma_start3A_40 = tpu.memref_slice %arg8[%dma_start3A, %dma_start3A_38, %dma_start3A_39] : memref<6x128x128xf32, #tpu.memory_space<vmem>> -> memref<1x128x128xf32, #tpu.memory_space<vmem>>
    %dma_start3A_41 = tpu.memref_squeeze %dma_start3A_40 : memref<1x128x128xf32, #tpu.memory_space<vmem>> -> memref<128x128xf32, #tpu.memory_space<vmem>>
    %dma_start3A_42 = arith.constant 0 : i32
    %dma_start3A_43 = tpu.memref_slice %arg7[%add3A_36, %dma_start3A_42] : memref<8x128xi32, #tpu.memory_space<vmem>> -> memref<1x128xi32, #tpu.memory_space<vmem>>
    %dma_start3A_44 = tpu.memref_squeeze %dma_start3A_43 : memref<1x128xi32, #tpu.memory_space<vmem>> -> memref<128xi32, #tpu.memory_space<vmem>>
    %dma_start3A_45 = arith.constant 0 : i32
    %dma_start3A_46 = arith.constant 0 : i32
    %dma_start3A_47 = tpu.memref_slice %arg3[%dma_start3A_45, %dma_start3A_46] : memref<1000000x128xf32, #tpu.memory_space<hbm>> -> memref<1000000x128xf32, #tpu.memory_space<hbm>>
    %dma_start3A_48 = tpu.memref_slice %arg9[%dma_start3A_37] : memref<6x!tpu.dma_semaphore, #tpu.memory_space<semaphore_mem>> -> memref<1x!tpu.dma_semaphore, #tpu.memory_space<semaphore_mem>>
    %dma_start3A_49 = tpu.memref_squeeze %dma_start3A_48 : memref<1x!tpu.dma_semaphore, #tpu.memory_space<semaphore_mem>> -> memref<!tpu.dma_semaphore, #tpu.memory_space<semaphore_mem>>
    tpu.enqueue_indirect_dma source(%dma_start3A_47 : memref<1000000x128xf32, #tpu.memory_space<hbm>>) target(%dma_start3A_41 : memref<128x128xf32, #tpu.memory_space<vmem>>) offsets(%dma_start3A_44 : memref<128xi32, #tpu.memory_space<vmem>>) semaphore(%dma_start3A_49 : memref<!tpu.dma_semaphore, #tpu.memory_space<semaphore_mem>>)
    %jit3A_50 = arith.constant 2 : i32
    %eq3A_51 = arith.constant 0 : i32
    %eq3A_52 = arith.cmpi eq, %jit3A_50, %eq3A_51 : i32
    %jit3A_53 = arith.constant 1 : i32
    %select_n3A_54 = arith.select %eq3A_52, %jit3A_53, %jit3A_50 : i32
    %rem3A_55 = arith.remsi %add3A, %select_n3A_54 : i32
    %ne3A_56 = arith.constant 0 : i32
    %ne3A_57 = arith.cmpi ne, %rem3A_55, %ne3A_56 : i32
    %lt3A_58 = arith.constant 0 : i32
    %lt3A_59 = arith.cmpi slt, %rem3A_55, %lt3A_58 : i32
    %lt3A_60 = arith.constant 0 : i32
    %lt3A_61 = arith.cmpi slt, %select_n3A_54, %lt3A_60 : i32
    %ne3A_62 = arith.xori %lt3A_59, %lt3A_61 : i1
    %and3A_63 = arith.andi %ne3A_62, %ne3A_57 : i1
    %add3A_64 = arith.addi %rem3A_55, %select_n3A_54 : i32
    %select_n3A_65 = arith.select %and3A_63, %add3A_64, %rem3A_55 : i32
    %mul3A_66 = arith.constant 4 : i32
    %mul3A_67 = arith.muli %select_n3A_65, %mul3A_66 : i32
    %add3A_68 = arith.constant 1 : i32
    %add3A_69 = arith.addi %mul3A_67, %add3A_68 : i32
    %dma_start3A_70 = arith.constant 1 : i32
    %dma_start3A_71 = arith.constant 1 : i32
    %dma_start3A_72 = arith.constant 0 : i32
    %dma_start3A_73 = arith.constant 0 : i32
    %dma_start3A_74 = tpu.memref_slice %arg8[%dma_start3A_70, %dma_start3A_72, %dma_start3A_73] : memref<6x128x128xf32, #tpu.memory_space<vmem>> -> memref<1x128x128xf32, #tpu.memory_space<vmem>>
    %dma_start3A_75 = tpu.memref_squeeze %dma_start3A_74 : memref<1x128x128xf32, #tpu.memory_space<vmem>> -> memref<128x128xf32, #tpu.memory_space<vmem>>
    %dma_start3A_76 = arith.constant 0 : i32
    %dma_start3A_77 = tpu.memref_slice %arg7[%add3A_69, %dma_start3A_76] : memref<8x128xi32, #tpu.memory_space<vmem>> -> memref<1x128xi32, #tpu.memory_space<vmem>>
    %dma_start3A_78 = tpu.memref_squeeze %dma_start3A_77 : memref<1x128xi32, #tpu.memory_space<vmem>> -> memref<128xi32, #tpu.memory_space<vmem>>
    %dma_start3A_79 = arith.constant 0 : i32
    %dma_start3A_80 = arith.constant 0 : i32
    %dma_start3A_81 = tpu.memref_slice %arg3[%dma_start3A_79, %dma_start3A_80] : memref<1000000x128xf32, #tpu.memory_space<hbm>> -> memref<1000000x128xf32, #tpu.memory_space<hbm>>
    %dma_start3A_82 = tpu.memref_slice %arg9[%dma_start3A_71] : memref<6x!tpu.dma_semaphore, #tpu.memory_space<semaphore_mem>> -> memref<1x!tpu.dma_semaphore, #tpu.memory_space<semaphore_mem>>
    %dma_start3A_83 = tpu.memref_squeeze %dma_start3A_82 : memref<1x!tpu.dma_semaphore, #tpu.memory_space<semaphore_mem>> -> memref<!tpu.dma_semaphore, #tpu.memory_space<semaphore_mem>>
    tpu.enqueue_indirect_dma source(%dma_start3A_81 : memref<1000000x128xf32, #tpu.memory_space<hbm>>) target(%dma_start3A_75 : memref<128x128xf32, #tpu.memory_space<vmem>>) offsets(%dma_start3A_78 : memref<128xi32, #tpu.memory_space<vmem>>) semaphore(%dma_start3A_83 : memref<!tpu.dma_semaphore, #tpu.memory_space<semaphore_mem>>)
    %jit3A_84 = arith.constant 2 : i32
    %eq3A_85 = arith.constant 0 : i32
    %eq3A_86 = arith.cmpi eq, %jit3A_84, %eq3A_85 : i32
    %jit3A_87 = arith.constant 1 : i32
    %select_n3A_88 = arith.select %eq3A_86, %jit3A_87, %jit3A_84 : i32
    %rem3A_89 = arith.remsi %add3A, %select_n3A_88 : i32
    %ne3A_90 = arith.constant 0 : i32
    %ne3A_91 = arith.cmpi ne, %rem3A_89, %ne3A_90 : i32
    %lt3A_92 = arith.constant 0 : i32
    %lt3A_93 = arith.cmpi slt, %rem3A_89, %lt3A_92 : i32
    %lt3A_94 = arith.constant 0 : i32
    %lt3A_95 = arith.cmpi slt, %select_n3A_88, %lt3A_94 : i32
    %ne3A_96 = arith.xori %lt3A_93, %lt3A_95 : i1
    %and3A_97 = arith.andi %ne3A_96, %ne3A_91 : i1
    %add3A_98 = arith.addi %rem3A_89, %select_n3A_88 : i32
    %select_n3A_99 = arith.select %and3A_97, %add3A_98, %rem3A_89 : i32
    %mul3A_100 = arith.constant 4 : i32
    %mul3A_101 = arith.muli %select_n3A_99, %mul3A_100 : i32
    %add3A_102 = arith.constant 2 : i32
    %add3A_103 = arith.addi %mul3A_101, %add3A_102 : i32
    %dma_start3A_104 = arith.constant 2 : i32
    %dma_start3A_105 = arith.constant 2 : i32
    %dma_start3A_106 = arith.constant 0 : i32
    %dma_start3A_107 = arith.constant 0 : i32
    %dma_start3A_108 = tpu.memref_slice %arg8[%dma_start3A_104, %dma_start3A_106, %dma_start3A_107] : memref<6x128x128xf32, #tpu.memory_space<vmem>> -> memref<1x128x128xf32, #tpu.memory_space<vmem>>
    %dma_start3A_109 = tpu.memref_squeeze %dma_start3A_108 : memref<1x128x128xf32, #tpu.memory_space<vmem>> -> memref<128x128xf32, #tpu.memory_space<vmem>>
    %dma_start3A_110 = arith.constant 0 : i32
    %dma_start3A_111 = tpu.memref_slice %arg7[%add3A_103, %dma_start3A_110] : memref<8x128xi32, #tpu.memory_space<vmem>> -> memref<1x128xi32, #tpu.memory_space<vmem>>
    %dma_start3A_112 = tpu.memref_squeeze %dma_start3A_111 : memref<1x128xi32, #tpu.memory_space<vmem>> -> memref<128xi32, #tpu.memory_space<vmem>>
    %dma_start3A_113 = arith.constant 0 : i32
    %dma_start3A_114 = arith.constant 0 : i32
    %dma_start3A_115 = tpu.memref_slice %arg3[%dma_start3A_113, %dma_start3A_114] : memref<1000000x128xf32, #tpu.memory_space<hbm>> -> memref<1000000x128xf32, #tpu.memory_space<hbm>>
    %dma_start3A_116 = tpu.memref_slice %arg9[%dma_start3A_105] : memref<6x!tpu.dma_semaphore, #tpu.memory_space<semaphore_mem>> -> memref<1x!tpu.dma_semaphore, #tpu.memory_space<semaphore_mem>>
    %dma_start3A_117 = tpu.memref_squeeze %dma_start3A_116 : memref<1x!tpu.dma_semaphore, #tpu.memory_space<semaphore_mem>> -> memref<!tpu.dma_semaphore, #tpu.memory_space<semaphore_mem>>
    tpu.enqueue_indirect_dma source(%dma_start3A_115 : memref<1000000x128xf32, #tpu.memory_space<hbm>>) target(%dma_start3A_109 : memref<128x128xf32, #tpu.memory_space<vmem>>) offsets(%dma_start3A_112 : memref<128xi32, #tpu.memory_space<vmem>>) semaphore(%dma_start3A_117 : memref<!tpu.dma_semaphore, #tpu.memory_space<semaphore_mem>>)
    %jit3A_118 = arith.constant 2 : i32
    %eq3A_119 = arith.constant 0 : i32
    %eq3A_120 = arith.cmpi eq, %jit3A_118, %eq3A_119 : i32
    %jit3A_121 = arith.constant 1 : i32
    %select_n3A_122 = arith.select %eq3A_120, %jit3A_121, %jit3A_118 : i32
    %rem3A_123 = arith.remsi %add3A, %select_n3A_122 : i32
    %ne3A_124 = arith.constant 0 : i32
    %ne3A_125 = arith.cmpi ne, %rem3A_123, %ne3A_124 : i32
    %lt3A_126 = arith.constant 0 : i32
    %lt3A_127 = arith.cmpi slt, %rem3A_123, %lt3A_126 : i32
    %lt3A_128 = arith.constant 0 : i32
    %lt3A_129 = arith.cmpi slt, %select_n3A_122, %lt3A_128 : i32
    %ne3A_130 = arith.xori %lt3A_127, %lt3A_129 : i1
    %and3A_131 = arith.andi %ne3A_130, %ne3A_125 : i1
    %add3A_132 = arith.addi %rem3A_123, %select_n3A_122 : i32
    %select_n3A_133 = arith.select %and3A_131, %add3A_132, %rem3A_123 : i32
    %mul3A_134 = arith.constant 4 : i32
    %mul3A_135 = arith.muli %select_n3A_133, %mul3A_134 : i32
    %add3A_136 = arith.constant 3 : i32
    %add3A_137 = arith.addi %mul3A_135, %add3A_136 : i32
    %dma_start3A_138 = arith.constant 3 : i32
    %dma_start3A_139 = arith.constant 3 : i32
    %dma_start3A_140 = arith.constant 0 : i32
    %dma_start3A_141 = arith.constant 0 : i32
    %dma_start3A_142 = tpu.memref_slice %arg8[%dma_start3A_138, %dma_start3A_140, %dma_start3A_141] : memref<6x128x128xf32, #tpu.memory_space<vmem>> -> memref<1x128x128xf32, #tpu.memory_space<vmem>>
    %dma_start3A_143 = tpu.memref_squeeze %dma_start3A_142 : memref<1x128x128xf32, #tpu.memory_space<vmem>> -> memref<128x128xf32, #tpu.memory_space<vmem>>
    %dma_start3A_144 = arith.constant 0 : i32
    %dma_start3A_145 = tpu.memref_slice %arg7[%add3A_137, %dma_start3A_144] : memref<8x128xi32, #tpu.memory_space<vmem>> -> memref<1x128xi32, #tpu.memory_space<vmem>>
    %dma_start3A_146 = tpu.memref_squeeze %dma_start3A_145 : memref<1x128xi32, #tpu.memory_space<vmem>> -> memref<128xi32, #tpu.memory_space<vmem>>
    %dma_start3A_147 = arith.constant 0 : i32
    %dma_start3A_148 = arith.constant 0 : i32
    %dma_start3A_149 = tpu.memref_slice %arg3[%dma_start3A_147, %dma_start3A_148] : memref<1000000x128xf32, #tpu.memory_space<hbm>> -> memref<1000000x128xf32, #tpu.memory_space<hbm>>
    %dma_start3A_150 = tpu.memref_slice %arg9[%dma_start3A_139] : memref<6x!tpu.dma_semaphore, #tpu.memory_space<semaphore_mem>> -> memref<1x!tpu.dma_semaphore, #tpu.memory_space<semaphore_mem>>
    %dma_start3A_151 = tpu.memref_squeeze %dma_start3A_150 : memref<1x!tpu.dma_semaphore, #tpu.memory_space<semaphore_mem>> -> memref<!tpu.dma_semaphore, #tpu.memory_space<semaphore_mem>>
    tpu.enqueue_indirect_dma source(%dma_start3A_149 : memref<1000000x128xf32, #tpu.memory_space<hbm>>) target(%dma_start3A_143 : memref<128x128xf32, #tpu.memory_space<vmem>>) offsets(%dma_start3A_146 : memref<128xi32, #tpu.memory_space<vmem>>) semaphore(%dma_start3A_151 : memref<!tpu.dma_semaphore, #tpu.memory_space<semaphore_mem>>)
    %jit3A_152 = arith.constant 2 : i32
    %eq3A_153 = arith.constant 0 : i32
    %eq3A_154 = arith.cmpi eq, %jit3A_152, %eq3A_153 : i32
    %jit3A_155 = arith.constant 1 : i32
    %select_n3A_156 = arith.select %eq3A_154, %jit3A_155, %jit3A_152 : i32
    %rem3A_157 = arith.remsi %add3A, %select_n3A_156 : i32
    %ne3A_158 = arith.constant 0 : i32
    %ne3A_159 = arith.cmpi ne, %rem3A_157, %ne3A_158 : i32
    %lt3A_160 = arith.constant 0 : i32
    %lt3A_161 = arith.cmpi slt, %rem3A_157, %lt3A_160 : i32
    %lt3A_162 = arith.constant 0 : i32
    %lt3A_163 = arith.cmpi slt, %select_n3A_156, %lt3A_162 : i32
    %ne3A_164 = arith.xori %lt3A_161, %lt3A_163 : i1
    %and3A_165 = arith.andi %ne3A_164, %ne3A_159 : i1
    %add3A_166 = arith.addi %rem3A_157, %select_n3A_156 : i32
    %select_n3A_167 = arith.select %and3A_165, %add3A_166, %rem3A_157 : i32
    %mul3A_168 = arith.constant 4 : i32
    %mul3A_169 = arith.muli %select_n3A_167, %mul3A_168 : i32
    %add3A_170 = arith.constant 0 : i32
    %add3A_171 = arith.addi %mul3A_169, %add3A_170 : i32
    %dma_start3A_172 = arith.constant 4 : i32
    %dma_start3A_173 = arith.constant 4 : i32
    %dma_start3A_174 = arith.constant 0 : i32
    %dma_start3A_175 = arith.constant 0 : i32
    %dma_start3A_176 = tpu.memref_slice %arg8[%dma_start3A_172, %dma_start3A_174, %dma_start3A_175] : memref<6x128x128xf32, #tpu.memory_space<vmem>> -> memref<1x128x128xf32, #tpu.memory_space<vmem>>
    %dma_start3A_177 = tpu.memref_squeeze %dma_start3A_176 : memref<1x128x128xf32, #tpu.memory_space<vmem>> -> memref<128x128xf32, #tpu.memory_space<vmem>>
    %dma_start3A_178 = arith.constant 0 : i32
    %dma_start3A_179 = tpu.memref_slice %arg7[%add3A_171, %dma_start3A_178] : memref<8x128xi32, #tpu.memory_space<vmem>> -> memref<1x128xi32, #tpu.memory_space<vmem>>
    %dma_start3A_180 = tpu.memref_squeeze %dma_start3A_179 : memref<1x128xi32, #tpu.memory_space<vmem>> -> memref<128xi32, #tpu.memory_space<vmem>>
    %dma_start3A_181 = arith.constant 0 : i32
    %dma_start3A_182 = arith.constant 0 : i32
    %dma_start3A_183 = tpu.memref_slice %arg4[%dma_start3A_181, %dma_start3A_182] : memref<1000000x128xf32, #tpu.memory_space<hbm>> -> memref<1000000x128xf32, #tpu.memory_space<hbm>>
    %dma_start3A_184 = tpu.memref_slice %arg9[%dma_start3A_173] : memref<6x!tpu.dma_semaphore, #tpu.memory_space<semaphore_mem>> -> memref<1x!tpu.dma_semaphore, #tpu.memory_space<semaphore_mem>>
    %dma_start3A_185 = tpu.memref_squeeze %dma_start3A_184 : memref<1x!tpu.dma_semaphore, #tpu.memory_space<semaphore_mem>> -> memref<!tpu.dma_semaphore, #tpu.memory_space<semaphore_mem>>
    tpu.enqueue_indirect_dma source(%dma_start3A_183 : memref<1000000x128xf32, #tpu.memory_space<hbm>>) target(%dma_start3A_177 : memref<128x128xf32, #tpu.memory_space<vmem>>) offsets(%dma_start3A_180 : memref<128xi32, #tpu.memory_space<vmem>>) semaphore(%dma_start3A_185 : memref<!tpu.dma_semaphore, #tpu.memory_space<semaphore_mem>>)
    %jit3A_186 = arith.constant 2 : i32
    %eq3A_187 = arith.constant 0 : i32
    %eq3A_188 = arith.cmpi eq, %jit3A_186, %eq3A_187 : i32
    %jit3A_189 = arith.constant 1 : i32
    %select_n3A_190 = arith.select %eq3A_188, %jit3A_189, %jit3A_186 : i32
    %rem3A_191 = arith.remsi %add3A, %select_n3A_190 : i32
    %ne3A_192 = arith.constant 0 : i32
    %ne3A_193 = arith.cmpi ne, %rem3A_191, %ne3A_192 : i32
    %lt3A_194 = arith.constant 0 : i32
    %lt3A_195 = arith.cmpi slt, %rem3A_191, %lt3A_194 : i32
    %lt3A_196 = arith.constant 0 : i32
    %lt3A_197 = arith.cmpi slt, %select_n3A_190, %lt3A_196 : i32
    %ne3A_198 = arith.xori %lt3A_195, %lt3A_197 : i1
    %and3A_199 = arith.andi %ne3A_198, %ne3A_193 : i1
    %add3A_200 = arith.addi %rem3A_191, %select_n3A_190 : i32
    %select_n3A_201 = arith.select %and3A_199, %add3A_200, %rem3A_191 : i32
    %mul3A_202 = arith.constant 4 : i32
    %mul3A_203 = arith.muli %select_n3A_201, %mul3A_202 : i32
    %add3A_204 = arith.constant 1 : i32
    %add3A_205 = arith.addi %mul3A_203, %add3A_204 : i32
    %dma_start3A_206 = arith.constant 5 : i32
    %dma_start3A_207 = arith.constant 5 : i32
    %dma_start3A_208 = arith.constant 0 : i32
    %dma_start3A_209 = arith.constant 0 : i32
    %dma_start3A_210 = tpu.memref_slice %arg8[%dma_start3A_206, %dma_start3A_208, %dma_start3A_209] : memref<6x128x128xf32, #tpu.memory_space<vmem>> -> memref<1x128x128xf32, #tpu.memory_space<vmem>>
    %dma_start3A_211 = tpu.memref_squeeze %dma_start3A_210 : memref<1x128x128xf32, #tpu.memory_space<vmem>> -> memref<128x128xf32, #tpu.memory_space<vmem>>
    %dma_start3A_212 = arith.constant 0 : i32
    %dma_start3A_213 = tpu.memref_slice %arg7[%add3A_205, %dma_start3A_212] : memref<8x128xi32, #tpu.memory_space<vmem>> -> memref<1x128xi32, #tpu.memory_space<vmem>>
    %dma_start3A_214 = tpu.memref_squeeze %dma_start3A_213 : memref<1x128xi32, #tpu.memory_space<vmem>> -> memref<128xi32, #tpu.memory_space<vmem>>
    %dma_start3A_215 = arith.constant 0 : i32
    %dma_start3A_216 = arith.constant 0 : i32
    %dma_start3A_217 = tpu.memref_slice %arg4[%dma_start3A_215, %dma_start3A_216] : memref<1000000x128xf32, #tpu.memory_space<hbm>> -> memref<1000000x128xf32, #tpu.memory_space<hbm>>
    %dma_start3A_218 = tpu.memref_slice %arg9[%dma_start3A_207] : memref<6x!tpu.dma_semaphore, #tpu.memory_space<semaphore_mem>> -> memref<1x!tpu.dma_semaphore, #tpu.memory_space<semaphore_mem>>
    %dma_start3A_219 = tpu.memref_squeeze %dma_start3A_218 : memref<1x!tpu.dma_semaphore, #tpu.memory_space<semaphore_mem>> -> memref<!tpu.dma_semaphore, #tpu.memory_space<semaphore_mem>>
    tpu.enqueue_indirect_dma source(%dma_start3A_217 : memref<1000000x128xf32, #tpu.memory_space<hbm>>) target(%dma_start3A_211 : memref<128x128xf32, #tpu.memory_space<vmem>>) offsets(%dma_start3A_214 : memref<128xi32, #tpu.memory_space<vmem>>) semaphore(%dma_start3A_219 : memref<!tpu.dma_semaphore, #tpu.memory_space<semaphore_mem>>)
    %dma_wait3A = arith.constant 0 : i32
    %dma_wait3A_220 = arith.constant 0 : i32
    %dma_wait3A_221 = arith.constant 0 : i32
    %dma_wait3A_222 = arith.constant 0 : i32
    %dma_wait3A_223 = tpu.memref_slice %arg8[%dma_wait3A, %dma_wait3A_221, %dma_wait3A_222] : memref<6x128x128xf32, #tpu.memory_space<vmem>> -> memref<1x128x128xf32, #tpu.memory_space<vmem>>
    %dma_wait3A_224 = tpu.memref_squeeze %dma_wait3A_223 : memref<1x128x128xf32, #tpu.memory_space<vmem>> -> memref<128x128xf32, #tpu.memory_space<vmem>>
    %dma_wait3A_225 = arith.constant 0 : i32
    %dma_wait3A_226 = tpu.memref_slice %arg7[%add3A_36, %dma_wait3A_225] : memref<8x128xi32, #tpu.memory_space<vmem>> -> memref<1x128xi32, #tpu.memory_space<vmem>>
    %dma_wait3A_227 = tpu.memref_squeeze %dma_wait3A_226 : memref<1x128xi32, #tpu.memory_space<vmem>> -> memref<128xi32, #tpu.memory_space<vmem>>
    %dma_wait3A_228 = arith.constant 0 : i32
    %dma_wait3A_229 = arith.constant 0 : i32
    %dma_wait3A_230 = tpu.memref_slice %arg3[%dma_wait3A_228, %dma_wait3A_229] : memref<1000000x128xf32, #tpu.memory_space<hbm>> -> memref<1000000x128xf32, #tpu.memory_space<hbm>>
    %dma_wait3A_231 = tpu.memref_slice %arg9[%dma_wait3A_220] : memref<6x!tpu.dma_semaphore, #tpu.memory_space<semaphore_mem>> -> memref<1x!tpu.dma_semaphore, #tpu.memory_space<semaphore_mem>>
    %dma_wait3A_232 = tpu.memref_squeeze %dma_wait3A_231 : memref<1x!tpu.dma_semaphore, #tpu.memory_space<semaphore_mem>> -> memref<!tpu.dma_semaphore, #tpu.memory_space<semaphore_mem>>
    tpu.wait_indirect_dma semaphore(%dma_wait3A_232 : memref<!tpu.dma_semaphore, #tpu.memory_space<semaphore_mem>>) src(%dma_wait3A_230 : memref<1000000x128xf32, #tpu.memory_space<hbm>>) dst(%dma_wait3A_224 : memref<128x128xf32, #tpu.memory_space<vmem>>)
    %mul3A_233 = arith.constant 512 : i32
    %mul3A_234 = arith.muli %add3A, %mul3A_233 : i32
    %add3A_235 = arith.constant 0 : i32
    %add3A_236 = arith.addi %mul3A_234, %add3A_235 : i32
    %dma_start3A_237 = arith.constant 0 : i32
    %dma_start3A_238 = arith.constant 0 : i32
    %dma_start3A_239 = arith.constant 0 : i32
    %dma_start3A_240 = arith.constant 0 : i32
    %dma_start3A_241 = tpu.memref_slice %arg8[%dma_start3A_237, %dma_start3A_239, %dma_start3A_240] : memref<6x128x128xf32, #tpu.memory_space<vmem>> -> memref<1x128x128xf32, #tpu.memory_space<vmem>>
    %dma_start3A_242 = tpu.memref_squeeze %dma_start3A_241 : memref<1x128x128xf32, #tpu.memory_space<vmem>> -> memref<128x128xf32, #tpu.memory_space<vmem>>
    %dma_start3A_243 = arith.constant 0 : i32
    %dma_start3A_244 = tpu.memref_slice %arg5[%add3A_236, %dma_start3A_243] : memref<16384x128xf32, #tpu.memory_space<hbm>> -> memref<128x128xf32, #tpu.memory_space<hbm>>
    %dma_start3A_245 = tpu.memref_slice %arg10[%dma_start3A_238] : memref<6x!tpu.dma_semaphore, #tpu.memory_space<semaphore_mem>> -> memref<1x!tpu.dma_semaphore, #tpu.memory_space<semaphore_mem>>
    %dma_start3A_246 = tpu.memref_squeeze %dma_start3A_245 : memref<1x!tpu.dma_semaphore, #tpu.memory_space<semaphore_mem>> -> memref<!tpu.dma_semaphore, #tpu.memory_space<semaphore_mem>>
    %dma_start3A_247 = arith.constant 0 : i32
    %dma_start3A_248 = tpu.memref_slice %arg5[%add3A_236, %dma_start3A_247] : memref<16384x128xf32, #tpu.memory_space<hbm>> -> memref<128x128xf32, #tpu.memory_space<hbm>>
    %dma_start3A_249 = arith.constant 0 : i32
    %dma_start3A_250 = arith.constant 0 : i32
    %dma_start3A_251 = tpu.memref_slice %arg8[%dma_start3A_237, %dma_start3A_249, %dma_start3A_250] : memref<6x128x128xf32, #tpu.memory_space<vmem>> -> memref<1x128x128xf32, #tpu.memory_space<vmem>>
    %dma_start3A_252 = tpu.memref_squeeze %dma_start3A_251 : memref<1x128x128xf32, #tpu.memory_space<vmem>> -> memref<128x128xf32, #tpu.memory_space<vmem>>
    tpu.enqueue_dma source(%dma_start3A_252 : memref<128x128xf32, #tpu.memory_space<vmem>>) target(%dma_start3A_248 : memref<128x128xf32, #tpu.memory_space<hbm>>) target_semaphore(%dma_start3A_246 : memref<!tpu.dma_semaphore, #tpu.memory_space<semaphore_mem>>)
    %dma_wait3A_253 = arith.constant 1 : i32
    %dma_wait3A_254 = arith.constant 1 : i32
    %dma_wait3A_255 = arith.constant 0 : i32
    %dma_wait3A_256 = arith.constant 0 : i32
    %dma_wait3A_257 = tpu.memref_slice %arg8[%dma_wait3A_253, %dma_wait3A_255, %dma_wait3A_256] : memref<6x128x128xf32, #tpu.memory_space<vmem>> -> memref<1x128x128xf32, #tpu.memory_space<vmem>>
    %dma_wait3A_258 = tpu.memref_squeeze %dma_wait3A_257 : memref<1x128x128xf32, #tpu.memory_space<vmem>> -> memref<128x128xf32, #tpu.memory_space<vmem>>
    %dma_wait3A_259 = arith.constant 0 : i32
    %dma_wait3A_260 = tpu.memref_slice %arg7[%add3A_69, %dma_wait3A_259] : memref<8x128xi32, #tpu.memory_space<vmem>> -> memref<1x128xi32, #tpu.memory_space<vmem>>
    %dma_wait3A_261 = tpu.memref_squeeze %dma_wait3A_260 : memref<1x128xi32, #tpu.memory_space<vmem>> -> memref<128xi32, #tpu.memory_space<vmem>>
    %dma_wait3A_262 = arith.constant 0 : i32
    %dma_wait3A_263 = arith.constant 0 : i32
    %dma_wait3A_264 = tpu.memref_slice %arg3[%dma_wait3A_262, %dma_wait3A_263] : memref<1000000x128xf32, #tpu.memory_space<hbm>> -> memref<1000000x128xf32, #tpu.memory_space<hbm>>
    %dma_wait3A_265 = tpu.memref_slice %arg9[%dma_wait3A_254] : memref<6x!tpu.dma_semaphore, #tpu.memory_space<semaphore_mem>> -> memref<1x!tpu.dma_semaphore, #tpu.memory_space<semaphore_mem>>
    %dma_wait3A_266 = tpu.memref_squeeze %dma_wait3A_265 : memref<1x!tpu.dma_semaphore, #tpu.memory_space<semaphore_mem>> -> memref<!tpu.dma_semaphore, #tpu.memory_space<semaphore_mem>>
    tpu.wait_indirect_dma semaphore(%dma_wait3A_266 : memref<!tpu.dma_semaphore, #tpu.memory_space<semaphore_mem>>) src(%dma_wait3A_264 : memref<1000000x128xf32, #tpu.memory_space<hbm>>) dst(%dma_wait3A_258 : memref<128x128xf32, #tpu.memory_space<vmem>>)
    %mul3A_267 = arith.constant 512 : i32
    %mul3A_268 = arith.muli %add3A, %mul3A_267 : i32
    %add3A_269 = arith.constant 128 : i32
    %add3A_270 = arith.addi %mul3A_268, %add3A_269 : i32
    %dma_start3A_271 = arith.constant 1 : i32
    %dma_start3A_272 = arith.constant 1 : i32
    %dma_start3A_273 = arith.constant 0 : i32
    %dma_start3A_274 = arith.constant 0 : i32
    %dma_start3A_275 = tpu.memref_slice %arg8[%dma_start3A_271, %dma_start3A_273, %dma_start3A_274] : memref<6x128x128xf32, #tpu.memory_space<vmem>> -> memref<1x128x128xf32, #tpu.memory_space<vmem>>
    %dma_start3A_276 = tpu.memref_squeeze %dma_start3A_275 : memref<1x128x128xf32, #tpu.memory_space<vmem>> -> memref<128x128xf32, #tpu.memory_space<vmem>>
    %dma_start3A_277 = arith.constant 0 : i32
    %dma_start3A_278 = tpu.memref_slice %arg5[%add3A_270, %dma_start3A_277] : memref<16384x128xf32, #tpu.memory_space<hbm>> -> memref<128x128xf32, #tpu.memory_space<hbm>>
    %dma_start3A_279 = tpu.memref_slice %arg10[%dma_start3A_272] : memref<6x!tpu.dma_semaphore, #tpu.memory_space<semaphore_mem>> -> memref<1x!tpu.dma_semaphore, #tpu.memory_space<semaphore_mem>>
    %dma_start3A_280 = tpu.memref_squeeze %dma_start3A_279 : memref<1x!tpu.dma_semaphore, #tpu.memory_space<semaphore_mem>> -> memref<!tpu.dma_semaphore, #tpu.memory_space<semaphore_mem>>
    %dma_start3A_281 = arith.constant 0 : i32
    %dma_start3A_282 = tpu.memref_slice %arg5[%add3A_270, %dma_start3A_281] : memref<16384x128xf32, #tpu.memory_space<hbm>> -> memref<128x128xf32, #tpu.memory_space<hbm>>
    %dma_start3A_283 = arith.constant 0 : i32
    %dma_start3A_284 = arith.constant 0 : i32
    %dma_start3A_285 = tpu.memref_slice %arg8[%dma_start3A_271, %dma_start3A_283, %dma_start3A_284] : memref<6x128x128xf32, #tpu.memory_space<vmem>> -> memref<1x128x128xf32, #tpu.memory_space<vmem>>
    %dma_start3A_286 = tpu.memref_squeeze %dma_start3A_285 : memref<1x128x128xf32, #tpu.memory_space<vmem>> -> memref<128x128xf32, #tpu.memory_space<vmem>>
    tpu.enqueue_dma source(%dma_start3A_286 : memref<128x128xf32, #tpu.memory_space<vmem>>) target(%dma_start3A_282 : memref<128x128xf32, #tpu.memory_space<hbm>>) target_semaphore(%dma_start3A_280 : memref<!tpu.dma_semaphore, #tpu.memory_space<semaphore_mem>>)
    %dma_wait3A_287 = arith.constant 2 : i32
    %dma_wait3A_288 = arith.constant 2 : i32
    %dma_wait3A_289 = arith.constant 0 : i32
    %dma_wait3A_290 = arith.constant 0 : i32
    %dma_wait3A_291 = tpu.memref_slice %arg8[%dma_wait3A_287, %dma_wait3A_289, %dma_wait3A_290] : memref<6x128x128xf32, #tpu.memory_space<vmem>> -> memref<1x128x128xf32, #tpu.memory_space<vmem>>
    %dma_wait3A_292 = tpu.memref_squeeze %dma_wait3A_291 : memref<1x128x128xf32, #tpu.memory_space<vmem>> -> memref<128x128xf32, #tpu.memory_space<vmem>>
    %dma_wait3A_293 = arith.constant 0 : i32
    %dma_wait3A_294 = tpu.memref_slice %arg7[%add3A_103, %dma_wait3A_293] : memref<8x128xi32, #tpu.memory_space<vmem>> -> memref<1x128xi32, #tpu.memory_space<vmem>>
    %dma_wait3A_295 = tpu.memref_squeeze %dma_wait3A_294 : memref<1x128xi32, #tpu.memory_space<vmem>> -> memref<128xi32, #tpu.memory_space<vmem>>
    %dma_wait3A_296 = arith.constant 0 : i32
    %dma_wait3A_297 = arith.constant 0 : i32
    %dma_wait3A_298 = tpu.memref_slice %arg3[%dma_wait3A_296, %dma_wait3A_297] : memref<1000000x128xf32, #tpu.memory_space<hbm>> -> memref<1000000x128xf32, #tpu.memory_space<hbm>>
    %dma_wait3A_299 = tpu.memref_slice %arg9[%dma_wait3A_288] : memref<6x!tpu.dma_semaphore, #tpu.memory_space<semaphore_mem>> -> memref<1x!tpu.dma_semaphore, #tpu.memory_space<semaphore_mem>>
    %dma_wait3A_300 = tpu.memref_squeeze %dma_wait3A_299 : memref<1x!tpu.dma_semaphore, #tpu.memory_space<semaphore_mem>> -> memref<!tpu.dma_semaphore, #tpu.memory_space<semaphore_mem>>
    tpu.wait_indirect_dma semaphore(%dma_wait3A_300 : memref<!tpu.dma_semaphore, #tpu.memory_space<semaphore_mem>>) src(%dma_wait3A_298 : memref<1000000x128xf32, #tpu.memory_space<hbm>>) dst(%dma_wait3A_292 : memref<128x128xf32, #tpu.memory_space<vmem>>)
    %mul3A_301 = arith.constant 512 : i32
    %mul3A_302 = arith.muli %add3A, %mul3A_301 : i32
    %add3A_303 = arith.constant 256 : i32
    %add3A_304 = arith.addi %mul3A_302, %add3A_303 : i32
    %dma_start3A_305 = arith.constant 2 : i32
    %dma_start3A_306 = arith.constant 2 : i32
    %dma_start3A_307 = arith.constant 0 : i32
    %dma_start3A_308 = arith.constant 0 : i32
    %dma_start3A_309 = tpu.memref_slice %arg8[%dma_start3A_305, %dma_start3A_307, %dma_start3A_308] : memref<6x128x128xf32, #tpu.memory_space<vmem>> -> memref<1x128x128xf32, #tpu.memory_space<vmem>>
    %dma_start3A_310 = tpu.memref_squeeze %dma_start3A_309 : memref<1x128x128xf32, #tpu.memory_space<vmem>> -> memref<128x128xf32, #tpu.memory_space<vmem>>
    %dma_start3A_311 = arith.constant 0 : i32
    %dma_start3A_312 = tpu.memref_slice %arg5[%add3A_304, %dma_start3A_311] : memref<16384x128xf32, #tpu.memory_space<hbm>> -> memref<128x128xf32, #tpu.memory_space<hbm>>
    %dma_start3A_313 = tpu.memref_slice %arg10[%dma_start3A_306] : memref<6x!tpu.dma_semaphore, #tpu.memory_space<semaphore_mem>> -> memref<1x!tpu.dma_semaphore, #tpu.memory_space<semaphore_mem>>
    %dma_start3A_314 = tpu.memref_squeeze %dma_start3A_313 : memref<1x!tpu.dma_semaphore, #tpu.memory_space<semaphore_mem>> -> memref<!tpu.dma_semaphore, #tpu.memory_space<semaphore_mem>>
    %dma_start3A_315 = arith.constant 0 : i32
    %dma_start3A_316 = tpu.memref_slice %arg5[%add3A_304, %dma_start3A_315] : memref<16384x128xf32, #tpu.memory_space<hbm>> -> memref<128x128xf32, #tpu.memory_space<hbm>>
    %dma_start3A_317 = arith.constant 0 : i32
    %dma_start3A_318 = arith.constant 0 : i32
    %dma_start3A_319 = tpu.memref_slice %arg8[%dma_start3A_305, %dma_start3A_317, %dma_start3A_318] : memref<6x128x128xf32, #tpu.memory_space<vmem>> -> memref<1x128x128xf32, #tpu.memory_space<vmem>>
    %dma_start3A_320 = tpu.memref_squeeze %dma_start3A_319 : memref<1x128x128xf32, #tpu.memory_space<vmem>> -> memref<128x128xf32, #tpu.memory_space<vmem>>
    tpu.enqueue_dma source(%dma_start3A_320 : memref<128x128xf32, #tpu.memory_space<vmem>>) target(%dma_start3A_316 : memref<128x128xf32, #tpu.memory_space<hbm>>) target_semaphore(%dma_start3A_314 : memref<!tpu.dma_semaphore, #tpu.memory_space<semaphore_mem>>)
    %dma_wait3A_321 = arith.constant 3 : i32
    %dma_wait3A_322 = arith.constant 3 : i32
    %dma_wait3A_323 = arith.constant 0 : i32
    %dma_wait3A_324 = arith.constant 0 : i32
    %dma_wait3A_325 = tpu.memref_slice %arg8[%dma_wait3A_321, %dma_wait3A_323, %dma_wait3A_324] : memref<6x128x128xf32, #tpu.memory_space<vmem>> -> memref<1x128x128xf32, #tpu.memory_space<vmem>>
    %dma_wait3A_326 = tpu.memref_squeeze %dma_wait3A_325 : memref<1x128x128xf32, #tpu.memory_space<vmem>> -> memref<128x128xf32, #tpu.memory_space<vmem>>
    %dma_wait3A_327 = arith.constant 0 : i32
    %dma_wait3A_328 = tpu.memref_slice %arg7[%add3A_137, %dma_wait3A_327] : memref<8x128xi32, #tpu.memory_space<vmem>> -> memref<1x128xi32, #tpu.memory_space<vmem>>
    %dma_wait3A_329 = tpu.memref_squeeze %dma_wait3A_328 : memref<1x128xi32, #tpu.memory_space<vmem>> -> memref<128xi32, #tpu.memory_space<vmem>>
    %dma_wait3A_330 = arith.constant 0 : i32
    %dma_wait3A_331 = arith.constant 0 : i32
    %dma_wait3A_332 = tpu.memref_slice %arg3[%dma_wait3A_330, %dma_wait3A_331] : memref<1000000x128xf32, #tpu.memory_space<hbm>> -> memref<1000000x128xf32, #tpu.memory_space<hbm>>
    %dma_wait3A_333 = tpu.memref_slice %arg9[%dma_wait3A_322] : memref<6x!tpu.dma_semaphore, #tpu.memory_space<semaphore_mem>> -> memref<1x!tpu.dma_semaphore, #tpu.memory_space<semaphore_mem>>
    %dma_wait3A_334 = tpu.memref_squeeze %dma_wait3A_333 : memref<1x!tpu.dma_semaphore, #tpu.memory_space<semaphore_mem>> -> memref<!tpu.dma_semaphore, #tpu.memory_space<semaphore_mem>>
    tpu.wait_indirect_dma semaphore(%dma_wait3A_334 : memref<!tpu.dma_semaphore, #tpu.memory_space<semaphore_mem>>) src(%dma_wait3A_332 : memref<1000000x128xf32, #tpu.memory_space<hbm>>) dst(%dma_wait3A_326 : memref<128x128xf32, #tpu.memory_space<vmem>>)
    %mul3A_335 = arith.constant 512 : i32
    %mul3A_336 = arith.muli %add3A, %mul3A_335 : i32
    %add3A_337 = arith.constant 384 : i32
    %add3A_338 = arith.addi %mul3A_336, %add3A_337 : i32
    %dma_start3A_339 = arith.constant 3 : i32
    %dma_start3A_340 = arith.constant 3 : i32
    %dma_start3A_341 = arith.constant 0 : i32
    %dma_start3A_342 = arith.constant 0 : i32
    %dma_start3A_343 = tpu.memref_slice %arg8[%dma_start3A_339, %dma_start3A_341, %dma_start3A_342] : memref<6x128x128xf32, #tpu.memory_space<vmem>> -> memref<1x128x128xf32, #tpu.memory_space<vmem>>
    %dma_start3A_344 = tpu.memref_squeeze %dma_start3A_343 : memref<1x128x128xf32, #tpu.memory_space<vmem>> -> memref<128x128xf32, #tpu.memory_space<vmem>>
    %dma_start3A_345 = arith.constant 0 : i32
    %dma_start3A_346 = tpu.memref_slice %arg5[%add3A_338, %dma_start3A_345] : memref<16384x128xf32, #tpu.memory_space<hbm>> -> memref<128x128xf32, #tpu.memory_space<hbm>>
    %dma_start3A_347 = tpu.memref_slice %arg10[%dma_start3A_340] : memref<6x!tpu.dma_semaphore, #tpu.memory_space<semaphore_mem>> -> memref<1x!tpu.dma_semaphore, #tpu.memory_space<semaphore_mem>>
    %dma_start3A_348 = tpu.memref_squeeze %dma_start3A_347 : memref<1x!tpu.dma_semaphore, #tpu.memory_space<semaphore_mem>> -> memref<!tpu.dma_semaphore, #tpu.memory_space<semaphore_mem>>
    %dma_start3A_349 = arith.constant 0 : i32
    %dma_start3A_350 = tpu.memref_slice %arg5[%add3A_338, %dma_start3A_349] : memref<16384x128xf32, #tpu.memory_space<hbm>> -> memref<128x128xf32, #tpu.memory_space<hbm>>
    %dma_start3A_351 = arith.constant 0 : i32
    %dma_start3A_352 = arith.constant 0 : i32
    %dma_start3A_353 = tpu.memref_slice %arg8[%dma_start3A_339, %dma_start3A_351, %dma_start3A_352] : memref<6x128x128xf32, #tpu.memory_space<vmem>> -> memref<1x128x128xf32, #tpu.memory_space<vmem>>
    %dma_start3A_354 = tpu.memref_squeeze %dma_start3A_353 : memref<1x128x128xf32, #tpu.memory_space<vmem>> -> memref<128x128xf32, #tpu.memory_space<vmem>>
    tpu.enqueue_dma source(%dma_start3A_354 : memref<128x128xf32, #tpu.memory_space<vmem>>) target(%dma_start3A_350 : memref<128x128xf32, #tpu.memory_space<hbm>>) target_semaphore(%dma_start3A_348 : memref<!tpu.dma_semaphore, #tpu.memory_space<semaphore_mem>>)
    %dma_wait3A_355 = arith.constant 0 : i32
    %dma_wait3A_356 = arith.constant 0 : i32
    %dma_wait3A_357 = arith.constant 0 : i32
    %dma_wait3A_358 = arith.constant 0 : i32
    %dma_wait3A_359 = tpu.memref_slice %arg8[%dma_wait3A_355, %dma_wait3A_357, %dma_wait3A_358] : memref<6x128x128xf32, #tpu.memory_space<vmem>> -> memref<1x128x128xf32, #tpu.memory_space<vmem>>
    %dma_wait3A_360 = tpu.memref_squeeze %dma_wait3A_359 : memref<1x128x128xf32, #tpu.memory_space<vmem>> -> memref<128x128xf32, #tpu.memory_space<vmem>>
    %dma_wait3A_361 = arith.constant 0 : i32
    %dma_wait3A_362 = tpu.memref_slice %arg5[%add3A_236, %dma_wait3A_361] : memref<16384x128xf32, #tpu.memory_space<hbm>> -> memref<128x128xf32, #tpu.memory_space<hbm>>
    %dma_wait3A_363 = tpu.memref_slice %arg10[%dma_wait3A_356] : memref<6x!tpu.dma_semaphore, #tpu.memory_space<semaphore_mem>> -> memref<1x!tpu.dma_semaphore, #tpu.memory_space<semaphore_mem>>
    %dma_wait3A_364 = tpu.memref_squeeze %dma_wait3A_363 : memref<1x!tpu.dma_semaphore, #tpu.memory_space<semaphore_mem>> -> memref<!tpu.dma_semaphore, #tpu.memory_space<semaphore_mem>>
    %dma_wait3A_365 = arith.constant 0 : i32
    %dma_wait3A_366 = tpu.memref_slice %arg5[%add3A_236, %dma_wait3A_365] : memref<16384x128xf32, #tpu.memory_space<hbm>> -> memref<128x128xf32, #tpu.memory_space<hbm>>
    %dma_wait3A_367 = arith.constant 0 : i32
    %dma_wait3A_368 = arith.constant 0 : i32
    %dma_wait3A_369 = tpu.memref_slice %arg8[%dma_wait3A_355, %dma_wait3A_367, %dma_wait3A_368] : memref<6x128x128xf32, #tpu.memory_space<vmem>> -> memref<1x128x128xf32, #tpu.memory_space<vmem>>
    %dma_wait3A_370 = tpu.memref_squeeze %dma_wait3A_369 : memref<1x128x128xf32, #tpu.memory_space<vmem>> -> memref<128x128xf32, #tpu.memory_space<vmem>>
    tpu.wait_dma2 semaphore(%dma_wait3A_364 : memref<!tpu.dma_semaphore, #tpu.memory_space<semaphore_mem>>) src(%dma_wait3A_370 : memref<128x128xf32, #tpu.memory_space<vmem>>) dst(%dma_wait3A_366 : memref<128x128xf32, #tpu.memory_space<hbm>>)
    %jit3A_371 = arith.constant 2 : i32
    %eq3A_372 = arith.constant 0 : i32
    %eq3A_373 = arith.cmpi eq, %jit3A_371, %eq3A_372 : i32
    %jit3A_374 = arith.constant 1 : i32
    %select_n3A_375 = arith.select %eq3A_373, %jit3A_374, %jit3A_371 : i32
    %rem3A_376 = arith.remsi %add3A, %select_n3A_375 : i32
    %ne3A_377 = arith.constant 0 : i32
    %ne3A_378 = arith.cmpi ne, %rem3A_376, %ne3A_377 : i32
    %lt3A_379 = arith.constant 0 : i32
    %lt3A_380 = arith.cmpi slt, %rem3A_376, %lt3A_379 : i32
    %lt3A_381 = arith.constant 0 : i32
    %lt3A_382 = arith.cmpi slt, %select_n3A_375, %lt3A_381 : i32
    %ne3A_383 = arith.xori %lt3A_380, %lt3A_382 : i1
    %and3A_384 = arith.andi %ne3A_383, %ne3A_378 : i1
    %add3A_385 = arith.addi %rem3A_376, %select_n3A_375 : i32
    %select_n3A_386 = arith.select %and3A_384, %add3A_385, %rem3A_376 : i32
    %mul3A_387 = arith.constant 4 : i32
    %mul3A_388 = arith.muli %select_n3A_386, %mul3A_387 : i32
    %add3A_389 = arith.constant 2 : i32
    %add3A_390 = arith.addi %mul3A_388, %add3A_389 : i32
    %dma_start3A_391 = arith.constant 0 : i32
    %dma_start3A_392 = arith.constant 0 : i32
    %dma_start3A_393 = arith.constant 0 : i32
    %dma_start3A_394 = arith.constant 0 : i32
    %dma_start3A_395 = tpu.memref_slice %arg8[%dma_start3A_391, %dma_start3A_393, %dma_start3A_394] : memref<6x128x128xf32, #tpu.memory_space<vmem>> -> memref<1x128x128xf32, #tpu.memory_space<vmem>>
    %dma_start3A_396 = tpu.memref_squeeze %dma_start3A_395 : memref<1x128x128xf32, #tpu.memory_space<vmem>> -> memref<128x128xf32, #tpu.memory_space<vmem>>
    %dma_start3A_397 = arith.constant 0 : i32
    %dma_start3A_398 = tpu.memref_slice %arg7[%add3A_390, %dma_start3A_397] : memref<8x128xi32, #tpu.memory_space<vmem>> -> memref<1x128xi32, #tpu.memory_space<vmem>>
    %dma_start3A_399 = tpu.memref_squeeze %dma_start3A_398 : memref<1x128xi32, #tpu.memory_space<vmem>> -> memref<128xi32, #tpu.memory_space<vmem>>
    %dma_start3A_400 = arith.constant 0 : i32
    %dma_start3A_401 = arith.constant 0 : i32
    %dma_start3A_402 = tpu.memref_slice %arg4[%dma_start3A_400, %dma_start3A_401] : memref<1000000x128xf32, #tpu.memory_space<hbm>> -> memref<1000000x128xf32, #tpu.memory_space<hbm>>
    %dma_start3A_403 = tpu.memref_slice %arg9[%dma_start3A_392] : memref<6x!tpu.dma_semaphore, #tpu.memory_space<semaphore_mem>> -> memref<1x!tpu.dma_semaphore, #tpu.memory_space<semaphore_mem>>
    %dma_start3A_404 = tpu.memref_squeeze %dma_start3A_403 : memref<1x!tpu.dma_semaphore, #tpu.memory_space<semaphore_mem>> -> memref<!tpu.dma_semaphore, #tpu.memory_space<semaphore_mem>>
    tpu.enqueue_indirect_dma source(%dma_start3A_402 : memref<1000000x128xf32, #tpu.memory_space<hbm>>) target(%dma_start3A_396 : memref<128x128xf32, #tpu.memory_space<vmem>>) offsets(%dma_start3A_399 : memref<128xi32, #tpu.memory_space<vmem>>) semaphore(%dma_start3A_404 : memref<!tpu.dma_semaphore, #tpu.memory_space<semaphore_mem>>)
    %dma_wait3A_405 = arith.constant 4 : i32
    %dma_wait3A_406 = arith.constant 4 : i32
    %dma_wait3A_407 = arith.constant 0 : i32
    %dma_wait3A_408 = arith.constant 0 : i32
    %dma_wait3A_409 = tpu.memref_slice %arg8[%dma_wait3A_405, %dma_wait3A_407, %dma_wait3A_408] : memref<6x128x128xf32, #tpu.memory_space<vmem>> -> memref<1x128x128xf32, #tpu.memory_space<vmem>>
    %dma_wait3A_410 = tpu.memref_squeeze %dma_wait3A_409 : memref<1x128x128xf32, #tpu.memory_space<vmem>> -> memref<128x128xf32, #tpu.memory_space<vmem>>
    %dma_wait3A_411 = arith.constant 0 : i32
    %dma_wait3A_412 = tpu.memref_slice %arg7[%add3A_171, %dma_wait3A_411] : memref<8x128xi32, #tpu.memory_space<vmem>> -> memref<1x128xi32, #tpu.memory_space<vmem>>
    %dma_wait3A_413 = tpu.memref_squeeze %dma_wait3A_412 : memref<1x128xi32, #tpu.memory_space<vmem>> -> memref<128xi32, #tpu.memory_space<vmem>>
    %dma_wait3A_414 = arith.constant 0 : i32
    %dma_wait3A_415 = arith.constant 0 : i32
    %dma_wait3A_416 = tpu.memref_slice %arg4[%dma_wait3A_414, %dma_wait3A_415] : memref<1000000x128xf32, #tpu.memory_space<hbm>> -> memref<1000000x128xf32, #tpu.memory_space<hbm>>
    %dma_wait3A_417 = tpu.memref_slice %arg9[%dma_wait3A_406] : memref<6x!tpu.dma_semaphore, #tpu.memory_space<semaphore_mem>> -> memref<1x!tpu.dma_semaphore, #tpu.memory_space<semaphore_mem>>
    %dma_wait3A_418 = tpu.memref_squeeze %dma_wait3A_417 : memref<1x!tpu.dma_semaphore, #tpu.memory_space<semaphore_mem>> -> memref<!tpu.dma_semaphore, #tpu.memory_space<semaphore_mem>>
    tpu.wait_indirect_dma semaphore(%dma_wait3A_418 : memref<!tpu.dma_semaphore, #tpu.memory_space<semaphore_mem>>) src(%dma_wait3A_416 : memref<1000000x128xf32, #tpu.memory_space<hbm>>) dst(%dma_wait3A_410 : memref<128x128xf32, #tpu.memory_space<vmem>>)
    %mul3A_419 = arith.constant 512 : i32
    %mul3A_420 = arith.muli %add3A, %mul3A_419 : i32
    %add3A_421 = arith.constant 0 : i32
    %add3A_422 = arith.addi %mul3A_420, %add3A_421 : i32
    %dma_start3A_423 = arith.constant 4 : i32
    %dma_start3A_424 = arith.constant 4 : i32
    %dma_start3A_425 = arith.constant 0 : i32
    %dma_start3A_426 = arith.constant 0 : i32
    %dma_start3A_427 = tpu.memref_slice %arg8[%dma_start3A_423, %dma_start3A_425, %dma_start3A_426] : memref<6x128x128xf32, #tpu.memory_space<vmem>> -> memref<1x128x128xf32, #tpu.memory_space<vmem>>
    %dma_start3A_428 = tpu.memref_squeeze %dma_start3A_427 : memref<1x128x128xf32, #tpu.memory_space<vmem>> -> memref<128x128xf32, #tpu.memory_space<vmem>>
    %dma_start3A_429 = arith.constant 0 : i32
    %dma_start3A_430 = tpu.memref_slice %arg6[%add3A_422, %dma_start3A_429] : memref<16384x128xf32, #tpu.memory_space<hbm>> -> memref<128x128xf32, #tpu.memory_space<hbm>>
    %dma_start3A_431 = tpu.memref_slice %arg10[%dma_start3A_424] : memref<6x!tpu.dma_semaphore, #tpu.memory_space<semaphore_mem>> -> memref<1x!tpu.dma_semaphore, #tpu.memory_space<semaphore_mem>>
    %dma_start3A_432 = tpu.memref_squeeze %dma_start3A_431 : memref<1x!tpu.dma_semaphore, #tpu.memory_space<semaphore_mem>> -> memref<!tpu.dma_semaphore, #tpu.memory_space<semaphore_mem>>
    %dma_start3A_433 = arith.constant 0 : i32
    %dma_start3A_434 = tpu.memref_slice %arg6[%add3A_422, %dma_start3A_433] : memref<16384x128xf32, #tpu.memory_space<hbm>> -> memref<128x128xf32, #tpu.memory_space<hbm>>
    %dma_start3A_435 = arith.constant 0 : i32
    %dma_start3A_436 = arith.constant 0 : i32
    %dma_start3A_437 = tpu.memref_slice %arg8[%dma_start3A_423, %dma_start3A_435, %dma_start3A_436] : memref<6x128x128xf32, #tpu.memory_space<vmem>> -> memref<1x128x128xf32, #tpu.memory_space<vmem>>
    %dma_start3A_438 = tpu.memref_squeeze %dma_start3A_437 : memref<1x128x128xf32, #tpu.memory_space<vmem>> -> memref<128x128xf32, #tpu.memory_space<vmem>>
    tpu.enqueue_dma source(%dma_start3A_438 : memref<128x128xf32, #tpu.memory_space<vmem>>) target(%dma_start3A_434 : memref<128x128xf32, #tpu.memory_space<hbm>>) target_semaphore(%dma_start3A_432 : memref<!tpu.dma_semaphore, #tpu.memory_space<semaphore_mem>>)
    %dma_wait3A_439 = arith.constant 1 : i32
    %dma_wait3A_440 = arith.constant 1 : i32
    %dma_wait3A_441 = arith.constant 0 : i32
    %dma_wait3A_442 = arith.constant 0 : i32
    %dma_wait3A_443 = tpu.memref_slice %arg8[%dma_wait3A_439, %dma_wait3A_441, %dma_wait3A_442] : memref<6x128x128xf32, #tpu.memory_space<vmem>> -> memref<1x128x128xf32, #tpu.memory_space<vmem>>
    %dma_wait3A_444 = tpu.memref_squeeze %dma_wait3A_443 : memref<1x128x128xf32, #tpu.memory_space<vmem>> -> memref<128x128xf32, #tpu.memory_space<vmem>>
    %dma_wait3A_445 = arith.constant 0 : i32
    %dma_wait3A_446 = tpu.memref_slice %arg5[%add3A_270, %dma_wait3A_445] : memref<16384x128xf32, #tpu.memory_space<hbm>> -> memref<128x128xf32, #tpu.memory_space<hbm>>
    %dma_wait3A_447 = tpu.memref_slice %arg10[%dma_wait3A_440] : memref<6x!tpu.dma_semaphore, #tpu.memory_space<semaphore_mem>> -> memref<1x!tpu.dma_semaphore, #tpu.memory_space<semaphore_mem>>
    %dma_wait3A_448 = tpu.memref_squeeze %dma_wait3A_447 : memref<1x!tpu.dma_semaphore, #tpu.memory_space<semaphore_mem>> -> memref<!tpu.dma_semaphore, #tpu.memory_space<semaphore_mem>>
    %dma_wait3A_449 = arith.constant 0 : i32
    %dma_wait3A_450 = tpu.memref_slice %arg5[%add3A_270, %dma_wait3A_449] : memref<16384x128xf32, #tpu.memory_space<hbm>> -> memref<128x128xf32, #tpu.memory_space<hbm>>
    %dma_wait3A_451 = arith.constant 0 : i32
    %dma_wait3A_452 = arith.constant 0 : i32
    %dma_wait3A_453 = tpu.memref_slice %arg8[%dma_wait3A_439, %dma_wait3A_451, %dma_wait3A_452] : memref<6x128x128xf32, #tpu.memory_space<vmem>> -> memref<1x128x128xf32, #tpu.memory_space<vmem>>
    %dma_wait3A_454 = tpu.memref_squeeze %dma_wait3A_453 : memref<1x128x128xf32, #tpu.memory_space<vmem>> -> memref<128x128xf32, #tpu.memory_space<vmem>>
    tpu.wait_dma2 semaphore(%dma_wait3A_448 : memref<!tpu.dma_semaphore, #tpu.memory_space<semaphore_mem>>) src(%dma_wait3A_454 : memref<128x128xf32, #tpu.memory_space<vmem>>) dst(%dma_wait3A_450 : memref<128x128xf32, #tpu.memory_space<hbm>>)
    %jit3A_455 = arith.constant 2 : i32
    %eq3A_456 = arith.constant 0 : i32
    %eq3A_457 = arith.cmpi eq, %jit3A_455, %eq3A_456 : i32
    %jit3A_458 = arith.constant 1 : i32
    %select_n3A_459 = arith.select %eq3A_457, %jit3A_458, %jit3A_455 : i32
    %rem3A_460 = arith.remsi %add3A, %select_n3A_459 : i32
    %ne3A_461 = arith.constant 0 : i32
    %ne3A_462 = arith.cmpi ne, %rem3A_460, %ne3A_461 : i32
    %lt3A_463 = arith.constant 0 : i32
    %lt3A_464 = arith.cmpi slt, %rem3A_460, %lt3A_463 : i32
    %lt3A_465 = arith.constant 0 : i32
    %lt3A_466 = arith.cmpi slt, %select_n3A_459, %lt3A_465 : i32
    %ne3A_467 = arith.xori %lt3A_464, %lt3A_466 : i1
    %and3A_468 = arith.andi %ne3A_467, %ne3A_462 : i1
    %add3A_469 = arith.addi %rem3A_460, %select_n3A_459 : i32
    %select_n3A_470 = arith.select %and3A_468, %add3A_469, %rem3A_460 : i32
    %mul3A_471 = arith.constant 4 : i32
    %mul3A_472 = arith.muli %select_n3A_470, %mul3A_471 : i32
    %add3A_473 = arith.constant 3 : i32
    %add3A_474 = arith.addi %mul3A_472, %add3A_473 : i32
    %dma_start3A_475 = arith.constant 1 : i32
    %dma_start3A_476 = arith.constant 1 : i32
    %dma_start3A_477 = arith.constant 0 : i32
    %dma_start3A_478 = arith.constant 0 : i32
    %dma_start3A_479 = tpu.memref_slice %arg8[%dma_start3A_475, %dma_start3A_477, %dma_start3A_478] : memref<6x128x128xf32, #tpu.memory_space<vmem>> -> memref<1x128x128xf32, #tpu.memory_space<vmem>>
    %dma_start3A_480 = tpu.memref_squeeze %dma_start3A_479 : memref<1x128x128xf32, #tpu.memory_space<vmem>> -> memref<128x128xf32, #tpu.memory_space<vmem>>
    %dma_start3A_481 = arith.constant 0 : i32
    %dma_start3A_482 = tpu.memref_slice %arg7[%add3A_474, %dma_start3A_481] : memref<8x128xi32, #tpu.memory_space<vmem>> -> memref<1x128xi32, #tpu.memory_space<vmem>>
    %dma_start3A_483 = tpu.memref_squeeze %dma_start3A_482 : memref<1x128xi32, #tpu.memory_space<vmem>> -> memref<128xi32, #tpu.memory_space<vmem>>
    %dma_start3A_484 = arith.constant 0 : i32
    %dma_start3A_485 = arith.constant 0 : i32
    %dma_start3A_486 = tpu.memref_slice %arg4[%dma_start3A_484, %dma_start3A_485] : memref<1000000x128xf32, #tpu.memory_space<hbm>> -> memref<1000000x128xf32, #tpu.memory_space<hbm>>
    %dma_start3A_487 = tpu.memref_slice %arg9[%dma_start3A_476] : memref<6x!tpu.dma_semaphore, #tpu.memory_space<semaphore_mem>> -> memref<1x!tpu.dma_semaphore, #tpu.memory_space<semaphore_mem>>
    %dma_start3A_488 = tpu.memref_squeeze %dma_start3A_487 : memref<1x!tpu.dma_semaphore, #tpu.memory_space<semaphore_mem>> -> memref<!tpu.dma_semaphore, #tpu.memory_space<semaphore_mem>>
    tpu.enqueue_indirect_dma source(%dma_start3A_486 : memref<1000000x128xf32, #tpu.memory_space<hbm>>) target(%dma_start3A_480 : memref<128x128xf32, #tpu.memory_space<vmem>>) offsets(%dma_start3A_483 : memref<128xi32, #tpu.memory_space<vmem>>) semaphore(%dma_start3A_488 : memref<!tpu.dma_semaphore, #tpu.memory_space<semaphore_mem>>)
    %dma_wait3A_489 = arith.constant 5 : i32
    %dma_wait3A_490 = arith.constant 5 : i32
    %dma_wait3A_491 = arith.constant 0 : i32
    %dma_wait3A_492 = arith.constant 0 : i32
    %dma_wait3A_493 = tpu.memref_slice %arg8[%dma_wait3A_489, %dma_wait3A_491, %dma_wait3A_492] : memref<6x128x128xf32, #tpu.memory_space<vmem>> -> memref<1x128x128xf32, #tpu.memory_space<vmem>>
    %dma_wait3A_494 = tpu.memref_squeeze %dma_wait3A_493 : memref<1x128x128xf32, #tpu.memory_space<vmem>> -> memref<128x128xf32, #tpu.memory_space<vmem>>
    %dma_wait3A_495 = arith.constant 0 : i32
    %dma_wait3A_496 = tpu.memref_slice %arg7[%add3A_205, %dma_wait3A_495] : memref<8x128xi32, #tpu.memory_space<vmem>> -> memref<1x128xi32, #tpu.memory_space<vmem>>
    %dma_wait3A_497 = tpu.memref_squeeze %dma_wait3A_496 : memref<1x128xi32, #tpu.memory_space<vmem>> -> memref<128xi32, #tpu.memory_space<vmem>>
    %dma_wait3A_498 = arith.constant 0 : i32
    %dma_wait3A_499 = arith.constant 0 : i32
    %dma_wait3A_500 = tpu.memref_slice %arg4[%dma_wait3A_498, %dma_wait3A_499] : memref<1000000x128xf32, #tpu.memory_space<hbm>> -> memref<1000000x128xf32, #tpu.memory_space<hbm>>
    %dma_wait3A_501 = tpu.memref_slice %arg9[%dma_wait3A_490] : memref<6x!tpu.dma_semaphore, #tpu.memory_space<semaphore_mem>> -> memref<1x!tpu.dma_semaphore, #tpu.memory_space<semaphore_mem>>
    %dma_wait3A_502 = tpu.memref_squeeze %dma_wait3A_501 : memref<1x!tpu.dma_semaphore, #tpu.memory_space<semaphore_mem>> -> memref<!tpu.dma_semaphore, #tpu.memory_space<semaphore_mem>>
    tpu.wait_indirect_dma semaphore(%dma_wait3A_502 : memref<!tpu.dma_semaphore, #tpu.memory_space<semaphore_mem>>) src(%dma_wait3A_500 : memref<1000000x128xf32, #tpu.memory_space<hbm>>) dst(%dma_wait3A_494 : memref<128x128xf32, #tpu.memory_space<vmem>>)
    %mul3A_503 = arith.constant 512 : i32
    %mul3A_504 = arith.muli %add3A, %mul3A_503 : i32
    %add3A_505 = arith.constant 128 : i32
    %add3A_506 = arith.addi %mul3A_504, %add3A_505 : i32
    %dma_start3A_507 = arith.constant 5 : i32
    %dma_start3A_508 = arith.constant 5 : i32
    %dma_start3A_509 = arith.constant 0 : i32
    %dma_start3A_510 = arith.constant 0 : i32
    %dma_start3A_511 = tpu.memref_slice %arg8[%dma_start3A_507, %dma_start3A_509, %dma_start3A_510] : memref<6x128x128xf32, #tpu.memory_space<vmem>> -> memref<1x128x128xf32, #tpu.memory_space<vmem>>
    %dma_start3A_512 = tpu.memref_squeeze %dma_start3A_511 : memref<1x128x128xf32, #tpu.memory_space<vmem>> -> memref<128x128xf32, #tpu.memory_space<vmem>>
    %dma_start3A_513 = arith.constant 0 : i32
    %dma_start3A_514 = tpu.memref_slice %arg6[%add3A_506, %dma_start3A_513] : memref<16384x128xf32, #tpu.memory_space<hbm>> -> memref<128x128xf32, #tpu.memory_space<hbm>>
    %dma_start3A_515 = tpu.memref_slice %arg10[%dma_start3A_508] : memref<6x!tpu.dma_semaphore, #tpu.memory_space<semaphore_mem>> -> memref<1x!tpu.dma_semaphore, #tpu.memory_space<semaphore_mem>>
    %dma_start3A_516 = tpu.memref_squeeze %dma_start3A_515 : memref<1x!tpu.dma_semaphore, #tpu.memory_space<semaphore_mem>> -> memref<!tpu.dma_semaphore, #tpu.memory_space<semaphore_mem>>
    %dma_start3A_517 = arith.constant 0 : i32
    %dma_start3A_518 = tpu.memref_slice %arg6[%add3A_506, %dma_start3A_517] : memref<16384x128xf32, #tpu.memory_space<hbm>> -> memref<128x128xf32, #tpu.memory_space<hbm>>
    %dma_start3A_519 = arith.constant 0 : i32
    %dma_start3A_520 = arith.constant 0 : i32
    %dma_start3A_521 = tpu.memref_slice %arg8[%dma_start3A_507, %dma_start3A_519, %dma_start3A_520] : memref<6x128x128xf32, #tpu.memory_space<vmem>> -> memref<1x128x128xf32, #tpu.memory_space<vmem>>
    %dma_start3A_522 = tpu.memref_squeeze %dma_start3A_521 : memref<1x128x128xf32, #tpu.memory_space<vmem>> -> memref<128x128xf32, #tpu.memory_space<vmem>>
    tpu.enqueue_dma source(%dma_start3A_522 : memref<128x128xf32, #tpu.memory_space<vmem>>) target(%dma_start3A_518 : memref<128x128xf32, #tpu.memory_space<hbm>>) target_semaphore(%dma_start3A_516 : memref<!tpu.dma_semaphore, #tpu.memory_space<semaphore_mem>>)
    %dma_wait3A_523 = arith.constant 0 : i32
    %dma_wait3A_524 = arith.constant 0 : i32
    %dma_wait3A_525 = arith.constant 0 : i32
    %dma_wait3A_526 = arith.constant 0 : i32
    %dma_wait3A_527 = tpu.memref_slice %arg8[%dma_wait3A_523, %dma_wait3A_525, %dma_wait3A_526] : memref<6x128x128xf32, #tpu.memory_space<vmem>> -> memref<1x128x128xf32, #tpu.memory_space<vmem>>
    %dma_wait3A_528 = tpu.memref_squeeze %dma_wait3A_527 : memref<1x128x128xf32, #tpu.memory_space<vmem>> -> memref<128x128xf32, #tpu.memory_space<vmem>>
    %dma_wait3A_529 = arith.constant 0 : i32
    %dma_wait3A_530 = tpu.memref_slice %arg7[%add3A_390, %dma_wait3A_529] : memref<8x128xi32, #tpu.memory_space<vmem>> -> memref<1x128xi32, #tpu.memory_space<vmem>>
    %dma_wait3A_531 = tpu.memref_squeeze %dma_wait3A_530 : memref<1x128xi32, #tpu.memory_space<vmem>> -> memref<128xi32, #tpu.memory_space<vmem>>
    %dma_wait3A_532 = arith.constant 0 : i32
    %dma_wait3A_533 = arith.constant 0 : i32
    %dma_wait3A_534 = tpu.memref_slice %arg4[%dma_wait3A_532, %dma_wait3A_533] : memref<1000000x128xf32, #tpu.memory_space<hbm>> -> memref<1000000x128xf32, #tpu.memory_space<hbm>>
    %dma_wait3A_535 = tpu.memref_slice %arg9[%dma_wait3A_524] : memref<6x!tpu.dma_semaphore, #tpu.memory_space<semaphore_mem>> -> memref<1x!tpu.dma_semaphore, #tpu.memory_space<semaphore_mem>>
    %dma_wait3A_536 = tpu.memref_squeeze %dma_wait3A_535 : memref<1x!tpu.dma_semaphore, #tpu.memory_space<semaphore_mem>> -> memref<!tpu.dma_semaphore, #tpu.memory_space<semaphore_mem>>
    tpu.wait_indirect_dma semaphore(%dma_wait3A_536 : memref<!tpu.dma_semaphore, #tpu.memory_space<semaphore_mem>>) src(%dma_wait3A_534 : memref<1000000x128xf32, #tpu.memory_space<hbm>>) dst(%dma_wait3A_528 : memref<128x128xf32, #tpu.memory_space<vmem>>)
    %mul3A_537 = arith.constant 512 : i32
    %mul3A_538 = arith.muli %add3A, %mul3A_537 : i32
    %add3A_539 = arith.constant 256 : i32
    %add3A_540 = arith.addi %mul3A_538, %add3A_539 : i32
    %dma_start3A_541 = arith.constant 0 : i32
    %dma_start3A_542 = arith.constant 0 : i32
    %dma_start3A_543 = arith.constant 0 : i32
    %dma_start3A_544 = arith.constant 0 : i32
    %dma_start3A_545 = tpu.memref_slice %arg8[%dma_start3A_541, %dma_start3A_543, %dma_start3A_544] : memref<6x128x128xf32, #tpu.memory_space<vmem>> -> memref<1x128x128xf32, #tpu.memory_space<vmem>>
    %dma_start3A_546 = tpu.memref_squeeze %dma_start3A_545 : memref<1x128x128xf32, #tpu.memory_space<vmem>> -> memref<128x128xf32, #tpu.memory_space<vmem>>
    %dma_start3A_547 = arith.constant 0 : i32
    %dma_start3A_548 = tpu.memref_slice %arg6[%add3A_540, %dma_start3A_547] : memref<16384x128xf32, #tpu.memory_space<hbm>> -> memref<128x128xf32, #tpu.memory_space<hbm>>
    %dma_start3A_549 = tpu.memref_slice %arg10[%dma_start3A_542] : memref<6x!tpu.dma_semaphore, #tpu.memory_space<semaphore_mem>> -> memref<1x!tpu.dma_semaphore, #tpu.memory_space<semaphore_mem>>
    %dma_start3A_550 = tpu.memref_squeeze %dma_start3A_549 : memref<1x!tpu.dma_semaphore, #tpu.memory_space<semaphore_mem>> -> memref<!tpu.dma_semaphore, #tpu.memory_space<semaphore_mem>>
    %dma_start3A_551 = arith.constant 0 : i32
    %dma_start3A_552 = tpu.memref_slice %arg6[%add3A_540, %dma_start3A_551] : memref<16384x128xf32, #tpu.memory_space<hbm>> -> memref<128x128xf32, #tpu.memory_space<hbm>>
    %dma_start3A_553 = arith.constant 0 : i32
    %dma_start3A_554 = arith.constant 0 : i32
    %dma_start3A_555 = tpu.memref_slice %arg8[%dma_start3A_541, %dma_start3A_553, %dma_start3A_554] : memref<6x128x128xf32, #tpu.memory_space<vmem>> -> memref<1x128x128xf32, #tpu.memory_space<vmem>>
    %dma_start3A_556 = tpu.memref_squeeze %dma_start3A_555 : memref<1x128x128xf32, #tpu.memory_space<vmem>> -> memref<128x128xf32, #tpu.memory_space<vmem>>
    tpu.enqueue_dma source(%dma_start3A_556 : memref<128x128xf32, #tpu.memory_space<vmem>>) target(%dma_start3A_552 : memref<128x128xf32, #tpu.memory_space<hbm>>) target_semaphore(%dma_start3A_550 : memref<!tpu.dma_semaphore, #tpu.memory_space<semaphore_mem>>)
    %dma_wait3A_557 = arith.constant 1 : i32
    %dma_wait3A_558 = arith.constant 1 : i32
    %dma_wait3A_559 = arith.constant 0 : i32
    %dma_wait3A_560 = arith.constant 0 : i32
    %dma_wait3A_561 = tpu.memref_slice %arg8[%dma_wait3A_557, %dma_wait3A_559, %dma_wait3A_560] : memref<6x128x128xf32, #tpu.memory_space<vmem>> -> memref<1x128x128xf32, #tpu.memory_space<vmem>>
    %dma_wait3A_562 = tpu.memref_squeeze %dma_wait3A_561 : memref<1x128x128xf32, #tpu.memory_space<vmem>> -> memref<128x128xf32, #tpu.memory_space<vmem>>
    %dma_wait3A_563 = arith.constant 0 : i32
    %dma_wait3A_564 = tpu.memref_slice %arg7[%add3A_474, %dma_wait3A_563] : memref<8x128xi32, #tpu.memory_space<vmem>> -> memref<1x128xi32, #tpu.memory_space<vmem>>
    %dma_wait3A_565 = tpu.memref_squeeze %dma_wait3A_564 : memref<1x128xi32, #tpu.memory_space<vmem>> -> memref<128xi32, #tpu.memory_space<vmem>>
    %dma_wait3A_566 = arith.constant 0 : i32
    %dma_wait3A_567 = arith.constant 0 : i32
    %dma_wait3A_568 = tpu.memref_slice %arg4[%dma_wait3A_566, %dma_wait3A_567] : memref<1000000x128xf32, #tpu.memory_space<hbm>> -> memref<1000000x128xf32, #tpu.memory_space<hbm>>
    %dma_wait3A_569 = tpu.memref_slice %arg9[%dma_wait3A_558] : memref<6x!tpu.dma_semaphore, #tpu.memory_space<semaphore_mem>> -> memref<1x!tpu.dma_semaphore, #tpu.memory_space<semaphore_mem>>
    %dma_wait3A_570 = tpu.memref_squeeze %dma_wait3A_569 : memref<1x!tpu.dma_semaphore, #tpu.memory_space<semaphore_mem>> -> memref<!tpu.dma_semaphore, #tpu.memory_space<semaphore_mem>>
    tpu.wait_indirect_dma semaphore(%dma_wait3A_570 : memref<!tpu.dma_semaphore, #tpu.memory_space<semaphore_mem>>) src(%dma_wait3A_568 : memref<1000000x128xf32, #tpu.memory_space<hbm>>) dst(%dma_wait3A_562 : memref<128x128xf32, #tpu.memory_space<vmem>>)
    %mul3A_571 = arith.constant 512 : i32
    %mul3A_572 = arith.muli %add3A, %mul3A_571 : i32
    %add3A_573 = arith.constant 384 : i32
    %add3A_574 = arith.addi %mul3A_572, %add3A_573 : i32
    %dma_start3A_575 = arith.constant 1 : i32
    %dma_start3A_576 = arith.constant 1 : i32
    %dma_start3A_577 = arith.constant 0 : i32
    %dma_start3A_578 = arith.constant 0 : i32
    %dma_start3A_579 = tpu.memref_slice %arg8[%dma_start3A_575, %dma_start3A_577, %dma_start3A_578] : memref<6x128x128xf32, #tpu.memory_space<vmem>> -> memref<1x128x128xf32, #tpu.memory_space<vmem>>
    %dma_start3A_580 = tpu.memref_squeeze %dma_start3A_579 : memref<1x128x128xf32, #tpu.memory_space<vmem>> -> memref<128x128xf32, #tpu.memory_space<vmem>>
    %dma_start3A_581 = arith.constant 0 : i32
    %dma_start3A_582 = tpu.memref_slice %arg6[%add3A_574, %dma_start3A_581] : memref<16384x128xf32, #tpu.memory_space<hbm>> -> memref<128x128xf32, #tpu.memory_space<hbm>>
    %dma_start3A_583 = tpu.memref_slice %arg10[%dma_start3A_576] : memref<6x!tpu.dma_semaphore, #tpu.memory_space<semaphore_mem>> -> memref<1x!tpu.dma_semaphore, #tpu.memory_space<semaphore_mem>>
    %dma_start3A_584 = tpu.memref_squeeze %dma_start3A_583 : memref<1x!tpu.dma_semaphore, #tpu.memory_space<semaphore_mem>> -> memref<!tpu.dma_semaphore, #tpu.memory_space<semaphore_mem>>
    %dma_start3A_585 = arith.constant 0 : i32
    %dma_start3A_586 = tpu.memref_slice %arg6[%add3A_574, %dma_start3A_585] : memref<16384x128xf32, #tpu.memory_space<hbm>> -> memref<128x128xf32, #tpu.memory_space<hbm>>
    %dma_start3A_587 = arith.constant 0 : i32
    %dma_start3A_588 = arith.constant 0 : i32
    %dma_start3A_589 = tpu.memref_slice %arg8[%dma_start3A_575, %dma_start3A_587, %dma_start3A_588] : memref<6x128x128xf32, #tpu.memory_space<vmem>> -> memref<1x128x128xf32, #tpu.memory_space<vmem>>
    %dma_start3A_590 = tpu.memref_squeeze %dma_start3A_589 : memref<1x128x128xf32, #tpu.memory_space<vmem>> -> memref<128x128xf32, #tpu.memory_space<vmem>>
    tpu.enqueue_dma source(%dma_start3A_590 : memref<128x128xf32, #tpu.memory_space<vmem>>) target(%dma_start3A_586 : memref<128x128xf32, #tpu.memory_space<hbm>>) target_semaphore(%dma_start3A_584 : memref<!tpu.dma_semaphore, #tpu.memory_space<semaphore_mem>>)
    %dma_wait3A_591 = arith.constant 2 : i32
    %dma_wait3A_592 = arith.constant 2 : i32
    %dma_wait3A_593 = arith.constant 0 : i32
    %dma_wait3A_594 = arith.constant 0 : i32
    %dma_wait3A_595 = tpu.memref_slice %arg8[%dma_wait3A_591, %dma_wait3A_593, %dma_wait3A_594] : memref<6x128x128xf32, #tpu.memory_space<vmem>> -> memref<1x128x128xf32, #tpu.memory_space<vmem>>
    %dma_wait3A_596 = tpu.memref_squeeze %dma_wait3A_595 : memref<1x128x128xf32, #tpu.memory_space<vmem>> -> memref<128x128xf32, #tpu.memory_space<vmem>>
    %dma_wait3A_597 = arith.constant 0 : i32
    %dma_wait3A_598 = tpu.memref_slice %arg5[%add3A_304, %dma_wait3A_597] : memref<16384x128xf32, #tpu.memory_space<hbm>> -> memref<128x128xf32, #tpu.memory_space<hbm>>
    %dma_wait3A_599 = tpu.memref_slice %arg10[%dma_wait3A_592] : memref<6x!tpu.dma_semaphore, #tpu.memory_space<semaphore_mem>> -> memref<1x!tpu.dma_semaphore, #tpu.memory_space<semaphore_mem>>
    %dma_wait3A_600 = tpu.memref_squeeze %dma_wait3A_599 : memref<1x!tpu.dma_semaphore, #tpu.memory_space<semaphore_mem>> -> memref<!tpu.dma_semaphore, #tpu.memory_space<semaphore_mem>>
    %dma_wait3A_601 = arith.constant 0 : i32
    %dma_wait3A_602 = tpu.memref_slice %arg5[%add3A_304, %dma_wait3A_601] : memref<16384x128xf32, #tpu.memory_space<hbm>> -> memref<128x128xf32, #tpu.memory_space<hbm>>
    %dma_wait3A_603 = arith.constant 0 : i32
    %dma_wait3A_604 = arith.constant 0 : i32
    %dma_wait3A_605 = tpu.memref_slice %arg8[%dma_wait3A_591, %dma_wait3A_603, %dma_wait3A_604] : memref<6x128x128xf32, #tpu.memory_space<vmem>> -> memref<1x128x128xf32, #tpu.memory_space<vmem>>
    %dma_wait3A_606 = tpu.memref_squeeze %dma_wait3A_605 : memref<1x128x128xf32, #tpu.memory_space<vmem>> -> memref<128x128xf32, #tpu.memory_space<vmem>>
    tpu.wait_dma2 semaphore(%dma_wait3A_600 : memref<!tpu.dma_semaphore, #tpu.memory_space<semaphore_mem>>) src(%dma_wait3A_606 : memref<128x128xf32, #tpu.memory_space<vmem>>) dst(%dma_wait3A_602 : memref<128x128xf32, #tpu.memory_space<hbm>>)
    %dma_wait3A_607 = arith.constant 3 : i32
    %dma_wait3A_608 = arith.constant 3 : i32
    %dma_wait3A_609 = arith.constant 0 : i32
    %dma_wait3A_610 = arith.constant 0 : i32
    %dma_wait3A_611 = tpu.memref_slice %arg8[%dma_wait3A_607, %dma_wait3A_609, %dma_wait3A_610] : memref<6x128x128xf32, #tpu.memory_space<vmem>> -> memref<1x128x128xf32, #tpu.memory_space<vmem>>
    %dma_wait3A_612 = tpu.memref_squeeze %dma_wait3A_611 : memref<1x128x128xf32, #tpu.memory_space<vmem>> -> memref<128x128xf32, #tpu.memory_space<vmem>>
    %dma_wait3A_613 = arith.constant 0 : i32
    %dma_wait3A_614 = tpu.memref_slice %arg5[%add3A_338, %dma_wait3A_613] : memref<16384x128xf32, #tpu.memory_space<hbm>> -> memref<128x128xf32, #tpu.memory_space<hbm>>
    %dma_wait3A_615 = tpu.memref_slice %arg10[%dma_wait3A_608] : memref<6x!tpu.dma_semaphore, #tpu.memory_space<semaphore_mem>> -> memref<1x!tpu.dma_semaphore, #tpu.memory_space<semaphore_mem>>
    %dma_wait3A_616 = tpu.memref_squeeze %dma_wait3A_615 : memref<1x!tpu.dma_semaphore, #tpu.memory_space<semaphore_mem>> -> memref<!tpu.dma_semaphore, #tpu.memory_space<semaphore_mem>>
    %dma_wait3A_617 = arith.constant 0 : i32
    %dma_wait3A_618 = tpu.memref_slice %arg5[%add3A_338, %dma_wait3A_617] : memref<16384x128xf32, #tpu.memory_space<hbm>> -> memref<128x128xf32, #tpu.memory_space<hbm>>
    %dma_wait3A_619 = arith.constant 0 : i32
    %dma_wait3A_620 = arith.constant 0 : i32
    %dma_wait3A_621 = tpu.memref_slice %arg8[%dma_wait3A_607, %dma_wait3A_619, %dma_wait3A_620] : memref<6x128x128xf32, #tpu.memory_space<vmem>> -> memref<1x128x128xf32, #tpu.memory_space<vmem>>
    %dma_wait3A_622 = tpu.memref_squeeze %dma_wait3A_621 : memref<1x128x128xf32, #tpu.memory_space<vmem>> -> memref<128x128xf32, #tpu.memory_space<vmem>>
    tpu.wait_dma2 semaphore(%dma_wait3A_616 : memref<!tpu.dma_semaphore, #tpu.memory_space<semaphore_mem>>) src(%dma_wait3A_622 : memref<128x128xf32, #tpu.memory_space<vmem>>) dst(%dma_wait3A_618 : memref<128x128xf32, #tpu.memory_space<hbm>>)
    %dma_wait3A_623 = arith.constant 4 : i32
    %dma_wait3A_624 = arith.constant 4 : i32
    %dma_wait3A_625 = arith.constant 0 : i32
    %dma_wait3A_626 = arith.constant 0 : i32
    %dma_wait3A_627 = tpu.memref_slice %arg8[%dma_wait3A_623, %dma_wait3A_625, %dma_wait3A_626] : memref<6x128x128xf32, #tpu.memory_space<vmem>> -> memref<1x128x128xf32, #tpu.memory_space<vmem>>
    %dma_wait3A_628 = tpu.memref_squeeze %dma_wait3A_627 : memref<1x128x128xf32, #tpu.memory_space<vmem>> -> memref<128x128xf32, #tpu.memory_space<vmem>>
    %dma_wait3A_629 = arith.constant 0 : i32
    %dma_wait3A_630 = tpu.memref_slice %arg6[%add3A_422, %dma_wait3A_629] : memref<16384x128xf32, #tpu.memory_space<hbm>> -> memref<128x128xf32, #tpu.memory_space<hbm>>
    %dma_wait3A_631 = tpu.memref_slice %arg10[%dma_wait3A_624] : memref<6x!tpu.dma_semaphore, #tpu.memory_space<semaphore_mem>> -> memref<1x!tpu.dma_semaphore, #tpu.memory_space<semaphore_mem>>
    %dma_wait3A_632 = tpu.memref_squeeze %dma_wait3A_631 : memref<1x!tpu.dma_semaphore, #tpu.memory_space<semaphore_mem>> -> memref<!tpu.dma_semaphore, #tpu.memory_space<semaphore_mem>>
    %dma_wait3A_633 = arith.constant 0 : i32
    %dma_wait3A_634 = tpu.memref_slice %arg6[%add3A_422, %dma_wait3A_633] : memref<16384x128xf32, #tpu.memory_space<hbm>> -> memref<128x128xf32, #tpu.memory_space<hbm>>
    %dma_wait3A_635 = arith.constant 0 : i32
    %dma_wait3A_636 = arith.constant 0 : i32
    %dma_wait3A_637 = tpu.memref_slice %arg8[%dma_wait3A_623, %dma_wait3A_635, %dma_wait3A_636] : memref<6x128x128xf32, #tpu.memory_space<vmem>> -> memref<1x128x128xf32, #tpu.memory_space<vmem>>
    %dma_wait3A_638 = tpu.memref_squeeze %dma_wait3A_637 : memref<1x128x128xf32, #tpu.memory_space<vmem>> -> memref<128x128xf32, #tpu.memory_space<vmem>>
    tpu.wait_dma2 semaphore(%dma_wait3A_632 : memref<!tpu.dma_semaphore, #tpu.memory_space<semaphore_mem>>) src(%dma_wait3A_638 : memref<128x128xf32, #tpu.memory_space<vmem>>) dst(%dma_wait3A_634 : memref<128x128xf32, #tpu.memory_space<hbm>>)
    %dma_wait3A_639 = arith.constant 5 : i32
    %dma_wait3A_640 = arith.constant 5 : i32
    %dma_wait3A_641 = arith.constant 0 : i32
    %dma_wait3A_642 = arith.constant 0 : i32
    %dma_wait3A_643 = tpu.memref_slice %arg8[%dma_wait3A_639, %dma_wait3A_641, %dma_wait3A_642] : memref<6x128x128xf32, #tpu.memory_space<vmem>> -> memref<1x128x128xf32, #tpu.memory_space<vmem>>
    %dma_wait3A_644 = tpu.memref_squeeze %dma_wait3A_643 : memref<1x128x128xf32, #tpu.memory_space<vmem>> -> memref<128x128xf32, #tpu.memory_space<vmem>>
    %dma_wait3A_645 = arith.constant 0 : i32
    %dma_wait3A_646 = tpu.memref_slice %arg6[%add3A_506, %dma_wait3A_645] : memref<16384x128xf32, #tpu.memory_space<hbm>> -> memref<128x128xf32, #tpu.memory_space<hbm>>
    %dma_wait3A_647 = tpu.memref_slice %arg10[%dma_wait3A_640] : memref<6x!tpu.dma_semaphore, #tpu.memory_space<semaphore_mem>> -> memref<1x!tpu.dma_semaphore, #tpu.memory_space<semaphore_mem>>
    %dma_wait3A_648 = tpu.memref_squeeze %dma_wait3A_647 : memref<1x!tpu.dma_semaphore, #tpu.memory_space<semaphore_mem>> -> memref<!tpu.dma_semaphore, #tpu.memory_space<semaphore_mem>>
    %dma_wait3A_649 = arith.constant 0 : i32
    %dma_wait3A_650 = tpu.memref_slice %arg6[%add3A_506, %dma_wait3A_649] : memref<16384x128xf32, #tpu.memory_space<hbm>> -> memref<128x128xf32, #tpu.memory_space<hbm>>
    %dma_wait3A_651 = arith.constant 0 : i32
    %dma_wait3A_652 = arith.constant 0 : i32
    %dma_wait3A_653 = tpu.memref_slice %arg8[%dma_wait3A_639, %dma_wait3A_651, %dma_wait3A_652] : memref<6x128x128xf32, #tpu.memory_space<vmem>> -> memref<1x128x128xf32, #tpu.memory_space<vmem>>
    %dma_wait3A_654 = tpu.memref_squeeze %dma_wait3A_653 : memref<1x128x128xf32, #tpu.memory_space<vmem>> -> memref<128x128xf32, #tpu.memory_space<vmem>>
    tpu.wait_dma2 semaphore(%dma_wait3A_648 : memref<!tpu.dma_semaphore, #tpu.memory_space<semaphore_mem>>) src(%dma_wait3A_654 : memref<128x128xf32, #tpu.memory_space<vmem>>) dst(%dma_wait3A_650 : memref<128x128xf32, #tpu.memory_space<hbm>>)
    %dma_wait3A_655 = arith.constant 0 : i32
    %dma_wait3A_656 = arith.constant 0 : i32
    %dma_wait3A_657 = arith.constant 0 : i32
    %dma_wait3A_658 = arith.constant 0 : i32
    %dma_wait3A_659 = tpu.memref_slice %arg8[%dma_wait3A_655, %dma_wait3A_657, %dma_wait3A_658] : memref<6x128x128xf32, #tpu.memory_space<vmem>> -> memref<1x128x128xf32, #tpu.memory_space<vmem>>
    %dma_wait3A_660 = tpu.memref_squeeze %dma_wait3A_659 : memref<1x128x128xf32, #tpu.memory_space<vmem>> -> memref<128x128xf32, #tpu.memory_space<vmem>>
    %dma_wait3A_661 = arith.constant 0 : i32
    %dma_wait3A_662 = tpu.memref_slice %arg6[%add3A_540, %dma_wait3A_661] : memref<16384x128xf32, #tpu.memory_space<hbm>> -> memref<128x128xf32, #tpu.memory_space<hbm>>
    %dma_wait3A_663 = tpu.memref_slice %arg10[%dma_wait3A_656] : memref<6x!tpu.dma_semaphore, #tpu.memory_space<semaphore_mem>> -> memref<1x!tpu.dma_semaphore, #tpu.memory_space<semaphore_mem>>
    %dma_wait3A_664 = tpu.memref_squeeze %dma_wait3A_663 : memref<1x!tpu.dma_semaphore, #tpu.memory_space<semaphore_mem>> -> memref<!tpu.dma_semaphore, #tpu.memory_space<semaphore_mem>>
    %dma_wait3A_665 = arith.constant 0 : i32
    %dma_wait3A_666 = tpu.memref_slice %arg6[%add3A_540, %dma_wait3A_665] : memref<16384x128xf32, #tpu.memory_space<hbm>> -> memref<128x128xf32, #tpu.memory_space<hbm>>
    %dma_wait3A_667 = arith.constant 0 : i32
    %dma_wait3A_668 = arith.constant 0 : i32
    %dma_wait3A_669 = tpu.memref_slice %arg8[%dma_wait3A_655, %dma_wait3A_667, %dma_wait3A_668] : memref<6x128x128xf32, #tpu.memory_space<vmem>> -> memref<1x128x128xf32, #tpu.memory_space<vmem>>
    %dma_wait3A_670 = tpu.memref_squeeze %dma_wait3A_669 : memref<1x128x128xf32, #tpu.memory_space<vmem>> -> memref<128x128xf32, #tpu.memory_space<vmem>>
    tpu.wait_dma2 semaphore(%dma_wait3A_664 : memref<!tpu.dma_semaphore, #tpu.memory_space<semaphore_mem>>) src(%dma_wait3A_670 : memref<128x128xf32, #tpu.memory_space<vmem>>) dst(%dma_wait3A_666 : memref<128x128xf32, #tpu.memory_space<hbm>>)
    %dma_wait3A_671 = arith.constant 1 : i32
    %dma_wait3A_672 = arith.constant 1 : i32
    %dma_wait3A_673 = arith.constant 0 : i32
    %dma_wait3A_674 = arith.constant 0 : i32
    %dma_wait3A_675 = tpu.memref_slice %arg8[%dma_wait3A_671, %dma_wait3A_673, %dma_wait3A_674] : memref<6x128x128xf32, #tpu.memory_space<vmem>> -> memref<1x128x128xf32, #tpu.memory_space<vmem>>
    %dma_wait3A_676 = tpu.memref_squeeze %dma_wait3A_675 : memref<1x128x128xf32, #tpu.memory_space<vmem>> -> memref<128x128xf32, #tpu.memory_space<vmem>>
    %dma_wait3A_677 = arith.constant 0 : i32
    %dma_wait3A_678 = tpu.memref_slice %arg6[%add3A_574, %dma_wait3A_677] : memref<16384x128xf32, #tpu.memory_space<hbm>> -> memref<128x128xf32, #tpu.memory_space<hbm>>
    %dma_wait3A_679 = tpu.memref_slice %arg10[%dma_wait3A_672] : memref<6x!tpu.dma_semaphore, #tpu.memory_space<semaphore_mem>> -> memref<1x!tpu.dma_semaphore, #tpu.memory_space<semaphore_mem>>
    %dma_wait3A_680 = tpu.memref_squeeze %dma_wait3A_679 : memref<1x!tpu.dma_semaphore, #tpu.memory_space<semaphore_mem>> -> memref<!tpu.dma_semaphore, #tpu.memory_space<semaphore_mem>>
    %dma_wait3A_681 = arith.constant 0 : i32
    %dma_wait3A_682 = tpu.memref_slice %arg6[%add3A_574, %dma_wait3A_681] : memref<16384x128xf32, #tpu.memory_space<hbm>> -> memref<128x128xf32, #tpu.memory_space<hbm>>
    %dma_wait3A_683 = arith.constant 0 : i32
    %dma_wait3A_684 = arith.constant 0 : i32
    %dma_wait3A_685 = tpu.memref_slice %arg8[%dma_wait3A_671, %dma_wait3A_683, %dma_wait3A_684] : memref<6x128x128xf32, #tpu.memory_space<vmem>> -> memref<1x128x128xf32, #tpu.memory_space<vmem>>
    %dma_wait3A_686 = tpu.memref_squeeze %dma_wait3A_685 : memref<1x128x128xf32, #tpu.memory_space<vmem>> -> memref<128x128xf32, #tpu.memory_space<vmem>>
    tpu.wait_dma2 semaphore(%dma_wait3A_680 : memref<!tpu.dma_semaphore, #tpu.memory_space<semaphore_mem>>) src(%dma_wait3A_686 : memref<128x128xf32, #tpu.memory_space<vmem>>) dst(%dma_wait3A_682 : memref<128x128xf32, #tpu.memory_space<hbm>>)
    return
  }
}

</mosaic_0001>

<sc_bundles>
// kernel: kernel.3.cloned.1.call-start
scs
__scs_entry_jumppad:
0x0: {  	(pc) =	sbr.rel $0x88, $3  }
0x1: {  	(tag) =	ssettag $0x0;
	lr =	simm.s32 $0x1  }
0x2: {  	[smem:$0x3F9E] =	sst lr;
	_ =	strace $0xD0000000  }
0x3: {  	_ = 	snop  }
0x4: {  	_ = 	snop  }
0x5: {  	_ = 	snop  }
0x6: {  	_ = 	snop  }
0x7: {  	_ = 	snop  }
__scs_overlays_trampoline_lowered:
0x8: {  	[smem:$0x3FAD] =	sst s0  }
0x9: {  	[smem:$0x3FAE] =	sst s1  }
0xa: {  	[smem:$0x3FAF] =	sst s2  }
0xb: {  	[smem:$0x3FB0] =	sst s3  }
0xc: {  	[smem:$0x3FB1] =	sst s4  }
0xd: {  	[smem:$0x3FB2] =	sst s5  }
0xe: {  	[smem:$0x3FB3] =	sst s6  }
0xf: {  	[smem:$0x3FB4] =	sst s7  }
0x10: {  	[smem:$0x3FB5] =	sst s8  }
0x11: {  	[smem:$0x3FB6] =	sst s9;
	s0 =	simm.s32 @!p0 $0x0  }
0x12: {  	s1 =	sld [smem:$0x3F9C];
	s0 =	simm.s32 @p0 $0x1  }
0x13: {  	[smem:$0x3FB7] =	sst s0;
	s0 =	simm.s32 @!p1 $0x0  }
0x14: {  	s2 =	sld [smem:$0x3F9B];
	s0 =	simm.s32 @p1 $0x1  }
0x15: {  	[smem:$0x3FB8] =	sst s0;
	s0 =	simm.s32 @!p2 $0x0  }
0x16: {  	s3 =	sld [smem:$0x3FDB];
	s0 =	simm.s32 @p2 $0x1  }
0x17: {  	s4 =	simm.s32 $0x1BF5;
	[smem:$0x3FBA] =	sst s0  }
0x18: {  	s0 =	sld [smem:$0x3F9D];
	_ =	swait.ge [sflag:s4], $0x0  }
0x19: {  	s7 =	sld [smem:$0x3F9E]  }
0x1a: {  	s8 =	sadd.s32 $0xFFFFE003, lr  }
0x1b: {  	s9 =	sadd.s32 $0xFFFFFEF7, lr;
	s5 =	simm.s32 $0xFFFFFFFF;
	p2 =	slt.u32 s8, $0xFFFFF086  }
0x1c: {  	p1 =	slt.u32 s9, $0xF7A;
	s5 =	simm.s32 @!p2 $0x0  }
0x1d: {  	s5 =	simm.s32 @p1 $0x1;
	p0 =	seq.s32 s7, s2  }
0x1e: {  	s7 =	smul.u32 @!p0 $0xF7A, s2;
	p2 =	seq.s32 @!p0 s5, $0x0  }
0x1f: {  	s9 =	smul.u32 $0xF7A, s1;
	s8 =	simm.s32 @!p0 $0x1BF5;
	p2 =	por !p2, p0  }
0x20: {  	[sflag:s8] =	ssyncset.s32 @!p0 $0xFFFFF086;
	s6 =	sadd.s32 @!p0 s3, s7;
	s7 =	simm.s32 @!p0 $0x108  }
0x21: {  	s3 =	sadd.s32 s3, s9;
	s6 =	sadd.s32 @!p0 $0x88, s6;
	s7 =	simm.s32 @p2 $0x1082  }
0x22: {  	[simem:s7], [sflag:s8] =	dma.local @!p0 [hbm:s6], $0xF7A  }
0x23: {  	s9 =	sor.u32 $0xD0000000, s2;
	s6 =	simm.s32 $0x108;
	_ =	swait.ge @!p0 [sflag:s8], $0x0  }
0x24: {  	s3 =	sadd.s32 $0x88, s3;
	s6 =	simm.s32 @!p1 $0x1082;
	[sflag:s4] =	ssyncset.s32 $0xFFFFF086  }
0x25: {  	[simem:s6], [sflag:s4] =	dma.local [hbm:s3], $0xF7A  }
0x26: {  	[smem:$0x3F9E] =	sst s1;
	(tag) =	ssettag s2;
	_ =	strace s9  }
0x27: {  	s1 =	sld [smem:$0x3FAE]  }
0x28: {  	s2 =	sld [smem:$0x3FAF]  }
0x29: {  	s4 =	sld [smem:$0x3FB1]  }
0x2a: {  	p0 =	seq.s32 s5, $0x0;
	s5 =	sld [smem:$0x3FB2]  }
0x2b: {  	s6 =	sld [smem:$0x3FB3]  }
0x2c: {  	s7 =	sld [smem:$0x3FB4]  }
0x2d: {  	s3 =	simm.s32 $0x108;
	s8 =	sld [smem:$0x3FB5]  }
0x2e: {  	s3 =	simm.s32 @!p0 $0x1082;
	s9 =	sld [smem:$0x3FB6]  }
0x2f: {  	lr =	sadd.s32 s0, s3;
	s0 =	sld [smem:$0x3FAD]  }
0x30: {  	s3 =	sld [smem:$0x3FB0]  }
0x31: {  	[smem:$0x3FB9] =	sst s10  }
0x32: {  	s10 =	sld [smem:$0x3FB7];
	_ =	sdelay $0x3  }
0x33: {  	p0 =	seq.s32 s10, $0x1;
	s10 =	sld [smem:$0x3FB9];
	_ =	sdelay $0x3  }
0x34: {  	[smem:$0x3FB9] =	sst s10  }
0x35: {  	s10 =	sld [smem:$0x3FB8];
	_ =	sdelay $0x3  }
0x36: {  	p1 =	seq.s32 s10, $0x1;
	s10 =	sld [smem:$0x3FB9];
	_ =	sdelay $0x3  }
0x37: {  	[smem:$0x3FB9] =	sst s10  }
0x38: {  	s10 =	sld [smem:$0x3FBA]  }
0x39: {  	_ = 	snop;
	(pc) =	sbr.ind lr, $3  }
0x3a: {  	_ = 	snop  }
0x3b: {  	_ = 	snop  }
0x3c: {  	p2 =	seq.s32 s10, $0x1;
	s10 =	sld [smem:$0x3FB9]  }
0x3d: {  	_ =	shalt  }
0x3e: {  	_ =	shalt  }
0x3f: {  	_ =	shalt  }
0x40: {  	_ =	shalt  }
0x41: {  	_ =	shalt  }
0x42: {  	_ =	shalt  }
0x43: {  	_ =	shalt  }
0x44: {  	_ =	shalt  }
0x45: {  	_ =	shalt  }
0x46: {  	_ =	shalt  }
0x47: {  	_ =	shalt  }
0x48: {  	_ =	shalt  }
0x49: {  	_ =	shalt  }
0x4a: {  	_ =	shalt  }
0x4b: {  	_ =	shalt  }
0x4c: {  	_ =	shalt  }
0x4d: {  	_ =	shalt  }
0x4e: {  	_ =	shalt  }
0x4f: {  	_ =	shalt  }
0x50: {  	_ =	shalt  }
0x51: {  	_ =	shalt  }
0x52: {  	_ =	shalt  }
0x53: {  	_ =	shalt  }
0x54: {  	_ =	shalt  }
0x55: {  	_ =	shalt  }
0x56: {  	_ =	shalt  }
0x57: {  	_ =	shalt  }
0x58: {  	_ =	shalt  }
0x59: {  	_ =	shalt  }
0x5a: {  	_ =	shalt  }
0x5b: {  	_ =	shalt  }
0x5c: {  	_ =	shalt  }
0x5d: {  	_ =	shalt  }
0x5e: {  	_ =	shalt  }
0x5f: {  	_ =	shalt  }
0x60: {  	_ =	shalt  }
0x61: {  	_ =	shalt  }
0x62: {  	_ =	shalt  }
0x63: {  	_ =	shalt  }
0x64: {  	_ =	shalt  }
0x65: {  	_ =	shalt  }
0x66: {  	_ =	shalt  }
0x67: {  	_ =	shalt  }
0x68: {  	_ =	shalt  }
0x69: {  	_ =	shalt  }
0x6a: {  	_ =	shalt  }
0x6b: {  	_ =	shalt  }
0x6c: {  	_ =	shalt  }
0x6d: {  	_ =	shalt  }
0x6e: {  	_ =	shalt  }
0x6f: {  	_ =	shalt  }
0x70: {  	_ =	shalt  }
0x71: {  	_ =	shalt  }
0x72: {  	_ =	shalt  }
0x73: {  	_ =	shalt  }
0x74: {  	_ =	shalt  }
0x75: {  	_ =	shalt  }
0x76: {  	_ =	shalt  }
0x77: {  	_ =	shalt  }
0x78: {  	_ =	shalt  }
0x79: {  	_ =	shalt  }
0x7a: {  	_ =	shalt  }
0x7b: {  	_ =	shalt  }
0x7c: {  	_ =	shalt  }
0x7d: {  	_ =	shalt  }
0x7e: {  	_ =	shalt  }
0x7f: {  	_ =	shalt  }
0x80: {  	_ =	shalt  }
0x81: {  	_ =	shalt  }
0x82: {  	_ =	shalt  }
0x83: {  	_ =	shalt  }
0x84: {  	_ =	shalt  }
0x85: {  	_ =	shalt  }
0x86: {  	_ =	shalt  }
0x87: {  	_ =	shalt  }
.Lfunc_end0:
.L_simem_size_0:
called_computation_lowered:
.L_overlay_start_0:
0x88: {  	s2 =	sld [smem:$0x3FD9]  }
0x89: {  	s3 =	sld [smem:$0x3FFE];
	_ =	sdelay $0x1  }
0x8a: {  	s1 =	srdreg.scid  }
0x8b: {  	s0 =	sand.u32 $0x1, s1  }
0x8c: {  	s14 =	sshll.u32 s0, $0xA;
	s2 =	sadd.s32 s3, s2  }
0x8d: {  	s2 =	sadd.s32 s2, s14  }
0x8e: {  	[smem:$0x3FC5] =	sst s2  }
0x8f: {  	_ = 	snop  }
0x90: {  	s2 =	sld [smem:$0x3FD0]  }
0x91: {  	s15 =	sld [smem:$0x3FC9]  }
0x92: {  	s4 =	sld [smem:$0x3FC8]  }
0x93: {  	s6 =	simm.s32 $0xA;
	s7 =	simm.s32 $0x10;
	s5 =	sld [smem:$0x3FC7]  }
0x94: {  	[smem:s7], [sflag:s6] =	dma.local [hbm:s2], $0x1  }
0x95: {  	_ =	swait.eq [sflag:s6], $0x1  }
0x96: {  	[sflag:s6] =	ssyncset.done $0x0  }
0x97: {  	[sflag:s6] =	ssyncadd.s32 $0xFFFFFFFF  }
0x98: {  	s16 =	sld [smem:$0x11];
	(tm) =	ssettm $0x1  }
0x99: {  	s17 =	sld [smem:$0x3FFB];
	_ =	sdelay $0x3  }
0x9a: {  	_ =	strace s17  }
0x9b: {  	s6 =	sld [smem:$0x3FFC];
	_ =	sdelay $0x3  }
0x9c: {  	_ =	strace s6  }
0x9d: {  	s6 =	sld [smem:$0x3FFD];
	_ =	sdelay $0x3  }
0x9e: {  	_ =	strace s6  }
0x9f: {  	_ =	strace $0x8FFFFFFF  }
0xa0: {  	s18 =	sld [smem:$0x3FDB];
	_ =	sdelay $0x1  }
0xa1: {  	s19 =	simm.s32 $_scs_section_size  }
0xa2: {  	s8 =	simm.s32 $_size__tile_overlayer_lowered;
	s9 =	simm.s32 $_tile_overlayer_lowered  }
0xa3: {  	s22 =	simm.s32 $0x1BFF;
	s21 =	sshll.u32 s9, $0x1;
	s6 =	sadd.s32 s19, s18  }
0xa4: {  	s10 =	simm.s32 $0x0;
	s20 =	sshll.u32 s8, $0x1;
	s8 =	sadd.s32 s21, s6  }
0xa5: {  	[timem:s10], [sflag:s22] =	dma.local [hbm:s8], s20  }
0xa6: {  	_ =	swait.ge [sflag:s22], s20  }
0xa7: {  	s7 =	ssub.s32 $0x0, s20;
	[sflag:s22] =	ssyncset.done $0x0  }
0xa8: {  	[sflag:s22] =	ssyncadd.s32 s7;
	_ =	sdelay $0x1  }
0xa9: {  	s23 =	simm.s32 $0x1B8B  }
0xaa: {  	_ =	swait.ge [sflag:s23], $0x1  }
0xab: {  	[sflag:s23] =	ssyncset.done $0x0  }
0xac: {  	s25 =	simm.s32 $0x1B8E;
	s24 =	sld [smem:$0x3FFE];
	[sflag:s23] =	ssyncadd.s32 $0xFFFFFFFF  }
0xad: {  	s26 =	simm.s32 $execute0_lowered;
	[smem:$0x3FD2] =	sst s25  }
0xae: {  	s8 =	sshll.u32 s26, $0x1;
	_ =	strace $0x80000046;
	[dreg:$0x1] =	wrdreg $0xFFFFFFFF  }
0xaf: {  	s28 =	simm.s32 $_size_execute0_lowered;
	s6 =	sadd.s32 s6, s8;
	[dreg:$0x0] =	wrdreg $0x0  }
0xb0: {  	s8 =	sshll.u32 s28, $0x1;
	[dreg:$0x2] =	wrdreg s6  }
0xb1: {  	[dreg:$0x3] =	wrdreg s8  }
0xb2: {  	[dreg:$0x4] =	wrdreg $0xC0  }
0xb3: {  	_ =	task [dreg:s10], $0x5FFFF  }
0xb4: {  	[dreg:$0x1] =	wrdreg $0xFFFFFFFF  }
0xb5: {  	[dreg:$0x0] =	wrdreg $0x60  }
0xb6: {  	[dreg:$0x2] =	wrdreg s15  }
0xb7: {  	[dreg:$0x3] =	wrdreg s4  }
0xb8: {  	[dreg:$0x4] =	wrdreg s5  }
0xb9: {  	[dreg:$0x5] =	wrdreg s16  }
0xba: {  	[dreg:$0x6] =	wrdreg s24  }
0xbb: {  	[dreg:$0x7] =	wrdreg $0x9  }
0xbc: {  	_ =	task.clear_ibuf [dreg:s10], $0x8FFFF;
	_ =	strace $0x90000046  }
0xbd: {  	s29 =	simm.s32 $0x9;
	_ =	strace $0x80000048  }
0xbe: {  	_ =	swait.ge [sflag:s29], $0x1  }
0xbf: {  	[sflag:s29] =	ssyncadd.s32 $0xFFFFFFFF  }
0xc0: {  	_ =	strace $0x90000048  }
0xc1: {  	_ =	sfence  }
0xc2: {  	s30 =	sld [smem:$0x0];
	_ =	sdelay $0x2  }
0xc3: {  	s31 =	sshll.u32 s1, $0xD;
	s1 =	sshrl.u32 s1, $0x2  }
0xc4: {  	s3 =	sand.u32 $0x4000, s31;
	s1 =	sadd.s32 s1, s30  }
0xc5: {  	s0 =	sor.u32 s3, s0;
	s1 =	sshll.u32 s1, $0x11  }
0xc6: {  	s0 =	sor.u32 s1, s0  }
0xc7: {  	s0 =	sadd.s32 $0x8F2B, s0  }
0xc8: {  	[sflag:s0] =	ssyncadd.remote.s32 $0x1  }
0xc9: {  	_ =	sfence.sel $0xFFFF  }
0xca: {  	[dreg:$0x0] =	wrdreg $0xFFFFFFFF;
	(pc) =	sbr.abs _section_cstart, $3  }
0xcb: {  	[dreg:$0x1] =	wrdreg $0xFFFFFFFF  }
0xcc: {  	_ =	task.clear_ibuf [dreg:s10], $0x2FFFF;
	_ =	strace $0x9FFFFFFF  }
0xcd: {  	(tm) =	ssettm $0x7FFFFFFF  }
tec
execute0_lowered:
.L_overlay_start_1:
0x0: {  	(tag) =	ssettag $0x1  }
0x1: {  	s4 =	rddreg [dreg:$0x0]  }
0x2: {  	s8 =	rddreg [dreg:$0x1]  }
0x3: {  	s0 =	srdreg.scid;
	s3 =	rddreg [dreg:$0x2]  }
0x4: {  	s9 =	stileid.u32;
	s5 =	rddreg [dreg:$0x3];
	s6 =	simm.s32 $0x1  }
0x5: {  	s7 =	rddreg [dreg:$0x4];
	s2 =	simm.s32 $0x0;
	s31 =	simm.s32 $0xD  }
0x6: {  	s28 =	simm.s32 $0x8400;
	s25 =	simm.s32 $0xC400;
	s30 =	simm.s32 $0x3  }
0x7: {  	s29 =	simm.s32 $0x4;
	s24 =	simm.s32 $0x5;
	s0 =	sand.u32 $0x1, s0  }
0x8: {  	s1 =	sshll.u32 s9, $0x1;
	[smem:$0x7FF] =	sst s2;
	s7 =	sadd.s32 $0xA00, s7  }
0x9: {  	s1 =	sor.u32 s0, s1;
	p1 =	seq.s32 s0, $0x1;
	s13 =	ssub.s32 $0x2, s0  }
0xa: {  	_ =	strace $0x80000047;
	s22 =	sshll.u32 s0, $0x9;
	p0 =	seq.s32 s1, $0x0  }
0xb: {  	s10 =	sshrl.u32 s13, $0x1;
	s1 =	sshll.u32 s1, $0xD;
	s26 =	sor.u32 $0x80, s22  }
0xc: {  	s11 =	sor.u32 $0x180, s22;
	p0 =	por !p0, !p1;
	s10 =	ssub.s32 s13, s10  }
0xd: {  	s14 =	sadd.s32 s5, s1;
	s15 =	sor.u32 $0x800, s1;
	s17 =	sor.u32 $0x1000, s1  }
0xe: {  	s12 =	sor.u32 $0x1800, s1;
	s20 =	sadd.s32 s7, s1;
	s13 =	simm.s32 $0x2  }
0xf: {  	p0 =	por !p0, !p0;
	[dreg:$0x7] =	wrdreg s14;
	s16 =	sadd.s32 s5, s15  }
0x10: {  	s18 =	sadd.s32 s5, s17;
	s19 =	sadd.s32 s5, s12;
	[dreg:$0xb] =	wrdreg s20  }
0x11: {  	s21 =	sadd.s32 s7, s15;
	s23 =	smax.u32 s10, $0x1;
	s10 =	simm.s32 $0x4400  }
0x12: {  	s5 =	simm.s32 $0x7;
	s20 =	simm.s32 $0x9;
	[dreg:$0x8] =	wrdreg s16  }
0x13: {  	s15 =	simm.s32 $0xB;
	s14 =	simm.s32 $0xC;
	[dreg:$0x9] =	wrdreg s18  }
0x14: {  	s6 =	simm.s32 @!p0 $0x0;
	s16 =	sor.u32 $0x100, s22;
	[dreg:$0xa] =	wrdreg s19  }
0x15: {  	[dreg:$0xc] =	wrdreg s21;
	s18 =	simm.s32 $0x80;
	s21 =	simm.s32 $0x10400  }
0x16: {  	s19 =	simm.s32 $0x14400;
	p1 =	sne.s32 s23, $0x1;
	s6 =	ssub.s32 s9, s6  }
.Ltmp0:
0x17: {  	s1 =	sadd.s32 $0xFFFFFFFF, s23;
	s6 =	sshll.u32 s6, $0x7;
	(pc) =	sbr.rel @!p1 .LBB2_3-.Ltmp0, $4  }
0x18: {  	p0 =	por $0x0, $0x0;
	s23 =	simm.s32 $0x6;
	s6 =	sand.u32 $0x1FFFFF80, s6  }
0x19: {  	s9 =	sadd.s32 s7, s17;
	s17 =	simm.s32 $0xA;
	s6 =	sadd.s32 s4, s6  }
0x1a: {  	s4 =	simm.s32 $0x1;
	[dreg:$0x6] =	wrdreg s6;
	s6 =	sadd.s32 s7, s12  }
0x1b: {  	s12 =	simm.s32 $0x400;
	s7 =	simm.s32 $0x8;
	s0 =	rddreg [dreg:$0x6]  }
0x1c: {  	[tilespmem:s2], [sflag:$0xD] =	stream.linear.gather [hbm4b:s0+s2], $0x400, $0x38;
	[tilespmem:$0x18400] =	vst v63  }
0x1d: {  	_ =	swait.ge [sflag:s31], $0x400  }
0x1e: {  	[sflag:s31] =	ssyncset.done $0x0  }
0x1f: {  	[sflag:s31] =	ssyncadd.s32 $0xFFFFFC00  }
0x20: {  	[tilespmem:s12], [sflag:$0x1] =	stream.indirect.gather [hbm4b:s8+s18], $0x80, s22, s18, $0xb8;
	[tilespmem:$0x18400] =	vst v63  }
0x21: {  	_ = 	snop  }
0x22: {  	[tilespmem:s10], [sflag:$0x2] =	stream.indirect.gather [hbm4b:s8+s18], $0x80, s26, s18, $0xb8;
	[tilespmem:$0x18400] =	vst v63  }
0x23: {  	_ = 	snop  }
0x24: {  	[tilespmem:s28], [sflag:$0x3] =	stream.indirect.gather [hbm4b:s8+s18], $0x80, s16, s18, $0xb8;
	[tilespmem:$0x18400] =	vst v63  }
0x25: {  	_ = 	snop  }
0x26: {  	[tilespmem:s25], [sflag:$0x4] =	stream.indirect.gather [hbm4b:s8+s18], $0x80, s11, s18, $0xb8;
	[tilespmem:$0x18400] =	vst v63  }
0x27: {  	_ = 	snop  }
0x28: {  	[tilespmem:s21], [sflag:$0x5] =	stream.indirect.gather [hbm4b:s3+s18], $0x80, s22, s18, $0xb8;
	[tilespmem:$0x18400] =	vst v63  }
0x29: {  	_ = 	snop  }
0x2a: {  	[tilespmem:s19], [sflag:$0x6] =	stream.indirect.gather [hbm4b:s3+s18], $0x80, s26, s18, $0xb8;
	[tilespmem:$0x18400] =	vst v63  }
0x2b: {  	_ =	swait.ge [sflag:s4], $0x4000  }
0x2c: {  	[sflag:s4] =	ssyncset.done $0x0  }
0x2d: {  	s0 =	rddreg [dreg:$0x7];
	[sflag:s4] =	ssyncadd.s32 $0xFFFFC000  }
0x2e: {  	[hbm4b:s0+s2] =	stream.linear.scatter [tilespmem:s12], [sflag:$0x7], $0x4000, $0x38;
	[tilespmem:$0x18400] =	vst v63  }
0x2f: {  	_ =	swait.ge [sflag:s13], $0x4000  }
0x30: {  	[sflag:s13] =	ssyncset.done $0x0  }
0x31: {  	s0 =	rddreg [dreg:$0x8];
	[sflag:s13] =	ssyncadd.s32 $0xFFFFC000  }
0x32: {  	[hbm4b:s0+s2] =	stream.linear.scatter [tilespmem:s10], [sflag:$0x8], $0x4000, $0x38;
	[tilespmem:$0x18400] =	vst v63  }
0x33: {  	_ =	swait.ge [sflag:s30], $0x4000  }
0x34: {  	[sflag:s30] =	ssyncset.done $0x0  }
0x35: {  	s0 =	rddreg [dreg:$0x9];
	[sflag:s30] =	ssyncadd.s32 $0xFFFFC000  }
0x36: {  	[hbm4b:s0+s2] =	stream.linear.scatter [tilespmem:s28], [sflag:$0x9], $0x4000, $0x38;
	[tilespmem:$0x18400] =	vst v63  }
0x37: {  	_ =	swait.ge [sflag:s29], $0x4000  }
0x38: {  	[sflag:s29] =	ssyncset.done $0x0  }
0x39: {  	s0 =	rddreg [dreg:$0xa];
	[sflag:s29] =	ssyncadd.s32 $0xFFFFC000  }
0x3a: {  	[hbm4b:s0+s2] =	stream.linear.scatter [tilespmem:s25], [sflag:$0xA], $0x4000, $0x38;
	[tilespmem:$0x18400] =	vst v63  }
0x3b: {  	_ =	swait.ge [sflag:s5], $0x4000  }
0x3c: {  	[sflag:s5] =	ssyncset.done $0x0  }
0x3d: {  	[sflag:s5] =	ssyncadd.s32 $0xFFFFC000  }
0x3e: {  	[tilespmem:s12], [sflag:$0x1] =	stream.indirect.gather [hbm4b:s3+s18], $0x80, s16, s18, $0xb8;
	[tilespmem:$0x18400] =	vst v63  }
0x3f: {  	_ =	swait.ge [sflag:s24], $0x4000  }
0x40: {  	[sflag:s24] =	ssyncset.done $0x0  }
0x41: {  	s0 =	rddreg [dreg:$0xb];
	[sflag:s24] =	ssyncadd.s32 $0xFFFFC000  }
0x42: {  	[hbm4b:s0+s2] =	stream.linear.scatter [tilespmem:s21], [sflag:$0xB], $0x4000, $0x38;
	[tilespmem:$0x18400] =	vst v63  }
0x43: {  	_ =	swait.ge [sflag:s7], $0x4000  }
0x44: {  	[sflag:s7] =	ssyncset.done $0x0  }
0x45: {  	[sflag:s7] =	ssyncadd.s32 $0xFFFFC000  }
0x46: {  	[tilespmem:s10], [sflag:$0x2] =	stream.indirect.gather [hbm4b:s3+s18], $0x80, s11, s18, $0xb8;
	[tilespmem:$0x18400] =	vst v63  }
0x47: {  	_ =	swait.ge [sflag:s23], $0x4000  }
0x48: {  	[sflag:s23] =	ssyncset.done $0x0  }
0x49: {  	s0 =	rddreg [dreg:$0xc];
	[sflag:s23] =	ssyncadd.s32 $0xFFFFC000  }
0x4a: {  	[hbm4b:s0+s2] =	stream.linear.scatter [tilespmem:s19], [sflag:$0xC], $0x4000, $0x38;
	[tilespmem:$0x18400] =	vst v63  }
0x4b: {  	_ =	swait.ge [sflag:s4], $0x4000  }
0x4c: {  	[sflag:s4] =	ssyncset.done $0x0  }
0x4d: {  	[sflag:s4] =	ssyncadd.s32 $0xFFFFC000  }
0x4e: {  	[hbm4b:s9+s2] =	stream.linear.scatter [tilespmem:s12], [sflag:$0x7], $0x4000, $0x38;
	[tilespmem:$0x18400] =	vst v63  }
0x4f: {  	_ =	swait.ge [sflag:s13], $0x4000  }
0x50: {  	[sflag:s13] =	ssyncset.done $0x0  }
0x51: {  	[sflag:s13] =	ssyncadd.s32 $0xFFFFC000  }
0x52: {  	[hbm4b:s6+s2] =	stream.linear.scatter [tilespmem:s10], [sflag:$0x8], $0x4000, $0x38;
	[tilespmem:$0x18400] =	vst v63  }
0x53: {  	_ =	swait.ge [sflag:s20], $0x4000  }
0x54: {  	[sflag:s20] =	ssyncset.done $0x0  }
0x55: {  	[sflag:s20] =	ssyncadd.s32 $0xFFFFC000  }
0x56: {  	_ =	swait.ge [sflag:s17], $0x4000  }
0x57: {  	[sflag:s17] =	ssyncset.done $0x0  }
0x58: {  	[sflag:s17] =	ssyncadd.s32 $0xFFFFC000  }
0x59: {  	_ =	swait.ge [sflag:s15], $0x4000  }
0x5a: {  	[sflag:s15] =	ssyncset.done $0x0  }
0x5b: {  	[sflag:s15] =	ssyncadd.s32 $0xFFFFC000  }
0x5c: {  	_ =	swait.ge [sflag:s14], $0x4000  }
0x5d: {  	[sflag:s14] =	ssyncset.done $0x0  }
0x5e: {  	p1 =	sne.s32 s1, $0x1;
	[sflag:s14] =	ssyncadd.s32 $0xFFFFC000  }
.Ltmp1:
0x5f: {  	_ =	swait.ge [sflag:s5], $0x4000;
	(pc) =	sbr.rel @!p1 .LBB2_3-.Ltmp1, $4  }
0x60: {  	[sflag:s5] =	ssyncset.done $0x0  }
0x61: {  	[sflag:s5] =	ssyncadd.s32 $0xFFFFC000  }
0x62: {  	s1 =	sadd.s32 $0xFFFFFFFF, s1;
	_ =	swait.ge [sflag:s7], $0x4000  }
0x63: {  	p0 =	por $0x1, $0x1;
	s0 =	rddreg [dreg:$0x6];
	[sflag:s7] =	ssyncset.done $0x0  }
.LBB2_2:
0x64: {  	[sflag:s7] =	ssyncadd.s32 $0xFFFFC000  }
0x65: {  	[tilespmem:s2], [sflag:$0xD] =	stream.linear.gather [hbm4b:s0+s2], $0x400, $0x38;
	[tilespmem:$0x18400] =	vst v63  }
0x66: {  	_ =	swait.ge [sflag:s31], $0x400  }
0x67: {  	[sflag:s31] =	ssyncset.done $0x0  }
0x68: {  	[sflag:s31] =	ssyncadd.s32 $0xFFFFFC00  }
0x69: {  	[tilespmem:s12], [sflag:$0x1] =	stream.indirect.gather [hbm4b:s8+s18], $0x80, s22, s18, $0xb8;
	[tilespmem:$0x18400] =	vst v63  }
0x6a: {  	_ = 	snop  }
0x6b: {  	[tilespmem:s10], [sflag:$0x2] =	stream.indirect.gather [hbm4b:s8+s18], $0x80, s26, s18, $0xb8;
	[tilespmem:$0x18400] =	vst v63  }
0x6c: {  	_ = 	snop  }
0x6d: {  	[tilespmem:s28], [sflag:$0x3] =	stream.indirect.gather [hbm4b:s8+s18], $0x80, s16, s18, $0xb8;
	[tilespmem:$0x18400] =	vst v63  }
0x6e: {  	_ = 	snop  }
0x6f: {  	[tilespmem:s25], [sflag:$0x4] =	stream.indirect.gather [hbm4b:s8+s18], $0x80, s11, s18, $0xb8;
	[tilespmem:$0x18400] =	vst v63  }
0x70: {  	_ = 	snop  }
0x71: {  	[tilespmem:s21], [sflag:$0x5] =	stream.indirect.gather [hbm4b:s3+s18], $0x80, s22, s18, $0xb8;
	[tilespmem:$0x18400] =	vst v63  }
0x72: {  	_ = 	snop  }
0x73: {  	[tilespmem:s19], [sflag:$0x6] =	stream.indirect.gather [hbm4b:s3+s18], $0x80, s26, s18, $0xb8;
	[tilespmem:$0x18400] =	vst v63  }
0x74: {  	_ =	swait.ge [sflag:s4], $0x4000  }
0x75: {  	[sflag:s4] =	ssyncset.done $0x0  }
0x76: {  	s0 =	rddreg [dreg:$0x7];
	[sflag:s4] =	ssyncadd.s32 $0xFFFFC000  }
0x77: {  	[hbm4b:s0+s2] =	stream.linear.scatter [tilespmem:s12], [sflag:$0x7], $0x4000, $0x38;
	[tilespmem:$0x18400] =	vst v63  }
0x78: {  	_ =	swait.ge [sflag:s13], $0x4000  }
0x79: {  	[sflag:s13] =	ssyncset.done $0x0  }
0x7a: {  	s0 =	rddreg [dreg:$0x8];
	[sflag:s13] =	ssyncadd.s32 $0xFFFFC000  }
0x7b: {  	[hbm4b:s0+s2] =	stream.linear.scatter [tilespmem:s10], [sflag:$0x8], $0x4000, $0x38;
	[tilespmem:$0x18400] =	vst v63  }
0x7c: {  	_ =	swait.ge [sflag:s30], $0x4000  }
0x7d: {  	[sflag:s30] =	ssyncset.done $0x0  }
0x7e: {  	s0 =	rddreg [dreg:$0x9];
	[sflag:s30] =	ssyncadd.s32 $0xFFFFC000  }
0x7f: {  	[hbm4b:s0+s2] =	stream.linear.scatter [tilespmem:s28], [sflag:$0x9], $0x4000, $0x38;
	[tilespmem:$0x18400] =	vst v63  }
0x80: {  	_ =	swait.ge [sflag:s29], $0x4000  }
0x81: {  	[sflag:s29] =	ssyncset.done $0x0  }
0x82: {  	s0 =	rddreg [dreg:$0xa];
	[sflag:s29] =	ssyncadd.s32 $0xFFFFC000  }
0x83: {  	[hbm4b:s0+s2] =	stream.linear.scatter [tilespmem:s25], [sflag:$0xA], $0x4000, $0x38;
	[tilespmem:$0x18400] =	vst v63  }
0x84: {  	_ =	swait.ge [sflag:s5], $0x4000  }
0x85: {  	[sflag:s5] =	ssyncset.done $0x0  }
0x86: {  	[sflag:s5] =	ssyncadd.s32 $0xFFFFC000  }
0x87: {  	[tilespmem:s12], [sflag:$0x1] =	stream.indirect.gather [hbm4b:s3+s18], $0x80, s16, s18, $0xb8;
	[tilespmem:$0x18400] =	vst v63  }
0x88: {  	_ =	swait.ge [sflag:s24], $0x4000  }
0x89: {  	[sflag:s24] =	ssyncset.done $0x0  }
0x8a: {  	s0 =	rddreg [dreg:$0xb];
	[sflag:s24] =	ssyncadd.s32 $0xFFFFC000  }
0x8b: {  	[hbm4b:s0+s2] =	stream.linear.scatter [tilespmem:s21], [sflag:$0xB], $0x4000, $0x38;
	[tilespmem:$0x18400] =	vst v63  }
0x8c: {  	_ =	swait.ge [sflag:s7], $0x4000  }
0x8d: {  	[sflag:s7] =	ssyncset.done $0x0  }
0x8e: {  	[sflag:s7] =	ssyncadd.s32 $0xFFFFC000  }
0x8f: {  	[tilespmem:s10], [sflag:$0x2] =	stream.indirect.gather [hbm4b:s3+s18], $0x80, s11, s18, $0xb8;
	[tilespmem:$0x18400] =	vst v63  }
0x90: {  	_ =	swait.ge [sflag:s23], $0x4000  }
0x91: {  	[sflag:s23] =	ssyncset.done $0x0  }
0x92: {  	s0 =	rddreg [dreg:$0xc];
	[sflag:s23] =	ssyncadd.s32 $0xFFFFC000  }
0x93: {  	[hbm4b:s0+s2] =	stream.linear.scatter [tilespmem:s19], [sflag:$0xC], $0x4000, $0x38;
	[tilespmem:$0x18400] =	vst v63  }
0x94: {  	_ =	swait.ge [sflag:s4], $0x4000  }
0x95: {  	[sflag:s4] =	ssyncset.done $0x0  }
0x96: {  	[sflag:s4] =	ssyncadd.s32 $0xFFFFC000  }
0x97: {  	[hbm4b:s9+s2] =	stream.linear.scatter [tilespmem:s12], [sflag:$0x7], $0x4000, $0x38;
	[tilespmem:$0x18400] =	vst v63  }
0x98: {  	_ =	swait.ge [sflag:s13], $0x4000  }
0x99: {  	[sflag:s13] =	ssyncset.done $0x0  }
0x9a: {  	[sflag:s13] =	ssyncadd.s32 $0xFFFFC000  }
0x9b: {  	[hbm4b:s6+s2] =	stream.linear.scatter [tilespmem:s10], [sflag:$0x8], $0x4000, $0x38;
	[tilespmem:$0x18400] =	vst v63  }
0x9c: {  	_ =	swait.ge [sflag:s20], $0x4000  }
0x9d: {  	[sflag:s20] =	ssyncset.done $0x0  }
0x9e: {  	[sflag:s20] =	ssyncadd.s32 $0xFFFFC000  }
0x9f: {  	_ =	swait.ge [sflag:s17], $0x4000  }
0xa0: {  	[sflag:s17] =	ssyncset.done $0x0  }
0xa1: {  	[sflag:s17] =	ssyncadd.s32 $0xFFFFC000  }
0xa2: {  	_ =	swait.ge [sflag:s15], $0x4000  }
0xa3: {  	[sflag:s15] =	ssyncset.done $0x0  }
0xa4: {  	[sflag:s15] =	ssyncadd.s32 $0xFFFFC000  }
0xa5: {  	_ =	swait.ge [sflag:s14], $0x4000  }
0xa6: {  	[sflag:s14] =	ssyncset.done $0x0  }
0xa7: {  	p1 =	sne.s32 s1, $0x1;
	[sflag:s14] =	ssyncadd.s32 $0xFFFFC000  }
.Ltmp2:
0xa8: {  	_ =	swait.ge [sflag:s5], $0x4000;
	(pc) =	sbr.rel @p1 .LBB2_2-.Ltmp2, $4  }
0xa9: {  	[sflag:s5] =	ssyncset.done $0x0  }
0xaa: {  	[sflag:s5] =	ssyncadd.s32 $0xFFFFC000  }
0xab: {  	_ =	swait.ge [sflag:s7], $0x4000  }
0xac: {  	s1 =	sadd.s32 $0xFFFFFFFF, s1;
	s0 =	rddreg [dreg:$0x6];
	[sflag:s7] =	ssyncset.done $0x0  }
.LBB2_3:
0xad: {  	[sflag:s7] =	ssyncadd.s32 @p0 $0xFFFFC000  }
0xae: {  	[tilespmem:s2], [sflag:$0xD] =	stream.linear.gather [hbm4b:s0+s2], $0x400, $0x38;
	[tilespmem:$0x18400] =	vst v63  }
0xaf: {  	_ =	swait.ge [sflag:s31], $0x400  }
0xb0: {  	[sflag:s31] =	ssyncset.done $0x0  }
0xb1: {  	[sflag:s31] =	ssyncadd.s32 $0xFFFFFC00  }
0xb2: {  	[tilespmem:s12], [sflag:$0x1] =	stream.indirect.gather [hbm4b:s8+s18], $0x80, s22, s18, $0xb8;
	[tilespmem:$0x18400] =	vst v63  }
0xb3: {  	_ = 	snop  }
0xb4: {  	[tilespmem:s10], [sflag:$0x2] =	stream.indirect.gather [hbm4b:s8+s18], $0x80, s26, s18, $0xb8;
	[tilespmem:$0x18400] =	vst v63  }
0xb5: {  	_ = 	snop  }
0xb6: {  	[tilespmem:s28], [sflag:$0x3] =	stream.indirect.gather [hbm4b:s8+s18], $0x80, s16, s18, $0xb8;
	[tilespmem:$0x18400] =	vst v63  }
0xb7: {  	_ = 	snop  }
0xb8: {  	[tilespmem:s25], [sflag:$0x4] =	stream.indirect.gather [hbm4b:s8+s18], $0x80, s11, s18, $0xb8;
	[tilespmem:$0x18400] =	vst v63  }
0xb9: {  	_ = 	snop  }
0xba: {  	[tilespmem:s21], [sflag:$0x5] =	stream.indirect.gather [hbm4b:s3+s18], $0x80, s22, s18, $0xb8;
	[tilespmem:$0x18400] =	vst v63  }
0xbb: {  	_ = 	snop  }
0xbc: {  	[tilespmem:s19], [sflag:$0x6] =	stream.indirect.gather [hbm4b:s3+s18], $0x80, s26, s18, $0xb8;
	[tilespmem:$0x18400] =	vst v63  }
0xbd: {  	_ =	swait.ge [sflag:s4], $0x4000  }
0xbe: {  	[sflag:s4] =	ssyncset.done $0x0  }
0xbf: {  	s8 =	rddreg [dreg:$0x7];
	[sflag:s4] =	ssyncadd.s32 $0xFFFFC000  }
0xc0: {  	[hbm4b:s8+s2] =	stream.linear.scatter [tilespmem:s12], [sflag:$0x7], $0x4000, $0x38;
	[tilespmem:$0x18400] =	vst v63  }
0xc1: {  	_ =	swait.ge [sflag:s13], $0x4000  }
0xc2: {  	[sflag:s13] =	ssyncset.done $0x0  }
0xc3: {  	s22 =	rddreg [dreg:$0x8];
	[sflag:s13] =	ssyncadd.s32 $0xFFFFC000  }
0xc4: {  	[hbm4b:s22+s2] =	stream.linear.scatter [tilespmem:s10], [sflag:$0x8], $0x4000, $0x38;
	[tilespmem:$0x18400] =	vst v63  }
0xc5: {  	_ =	swait.ge [sflag:s30], $0x4000  }
0xc6: {  	[sflag:s30] =	ssyncset.done $0x0  }
0xc7: {  	s26 =	rddreg [dreg:$0x9];
	[sflag:s30] =	ssyncadd.s32 $0xFFFFC000  }
0xc8: {  	[hbm4b:s26+s2] =	stream.linear.scatter [tilespmem:s28], [sflag:$0x9], $0x4000, $0x38;
	[tilespmem:$0x18400] =	vst v63  }
0xc9: {  	_ =	swait.ge [sflag:s29], $0x4000  }
0xca: {  	[sflag:s29] =	ssyncset.done $0x0  }
0xcb: {  	s28 =	rddreg [dreg:$0xa];
	[sflag:s29] =	ssyncadd.s32 $0xFFFFC000  }
0xcc: {  	[hbm4b:s28+s2] =	stream.linear.scatter [tilespmem:s25], [sflag:$0xA], $0x4000, $0x38;
	[tilespmem:$0x18400] =	vst v63  }
0xcd: {  	_ =	swait.ge [sflag:s5], $0x4000  }
0xce: {  	[sflag:s5] =	ssyncset.done $0x0  }
0xcf: {  	[sflag:s5] =	ssyncadd.s32 $0xFFFFC000  }
0xd0: {  	[tilespmem:s12], [sflag:$0x1] =	stream.indirect.gather [hbm4b:s3+s18], $0x80, s16, s18, $0xb8;
	[tilespmem:$0x18400] =	vst v63  }
0xd1: {  	_ =	swait.ge [sflag:s24], $0x4000  }
0xd2: {  	[sflag:s24] =	ssyncset.done $0x0  }
0xd3: {  	s29 =	rddreg [dreg:$0xb];
	[sflag:s24] =	ssyncadd.s32 $0xFFFFC000  }
0xd4: {  	[hbm4b:s29+s2] =	stream.linear.scatter [tilespmem:s21], [sflag:$0xB], $0x4000, $0x38;
	[tilespmem:$0x18400] =	vst v63  }
0xd5: {  	_ =	swait.ge [sflag:s7], $0x4000  }
0xd6: {  	[sflag:s7] =	ssyncset.done $0x0  }
0xd7: {  	[sflag:s7] =	ssyncadd.s32 $0xFFFFC000  }
0xd8: {  	[tilespmem:s10], [sflag:$0x2] =	stream.indirect.gather [hbm4b:s3+s18], $0x80, s11, s18, $0xb8;
	[tilespmem:$0x18400] =	vst v63  }
0xd9: {  	_ =	swait.ge [sflag:s23], $0x4000  }
0xda: {  	[sflag:s23] =	ssyncset.done $0x0  }
0xdb: {  	s30 =	rddreg [dreg:$0xc];
	[sflag:s23] =	ssyncadd.s32 $0xFFFFC000  }
0xdc: {  	[hbm4b:s30+s2] =	stream.linear.scatter [tilespmem:s19], [sflag:$0xC], $0x4000, $0x38;
	[tilespmem:$0x18400] =	vst v63  }
0xdd: {  	_ =	swait.ge [sflag:s4], $0x4000  }
0xde: {  	[sflag:s4] =	ssyncset.done $0x0  }
0xdf: {  	[sflag:s4] =	ssyncadd.s32 $0xFFFFC000  }
0xe0: {  	[hbm4b:s9+s2] =	stream.linear.scatter [tilespmem:s12], [sflag:$0x7], $0x4000, $0x38;
	[tilespmem:$0x18400] =	vst v63  }
0xe1: {  	_ =	swait.ge [sflag:s13], $0x4000  }
0xe2: {  	[sflag:s13] =	ssyncset.done $0x0  }
0xe3: {  	[sflag:s13] =	ssyncadd.s32 $0xFFFFC000  }
0xe4: {  	[hbm4b:s6+s2] =	stream.linear.scatter [tilespmem:s10], [sflag:$0x8], $0x4000, $0x38;
	[tilespmem:$0x18400] =	vst v63  }
0xe5: {  	_ =	swait.ge [sflag:s20], $0x4000  }
0xe6: {  	[sflag:s20] =	ssyncset.done $0x0  }
0xe7: {  	[sflag:s20] =	ssyncadd.s32 $0xFFFFC000  }
0xe8: {  	_ =	swait.ge [sflag:s17], $0x4000  }
0xe9: {  	[sflag:s17] =	ssyncset.done $0x0  }
0xea: {  	[sflag:s17] =	ssyncadd.s32 $0xFFFFC000  }
0xeb: {  	_ =	swait.ge [sflag:s15], $0x4000  }
0xec: {  	[sflag:s15] =	ssyncset.done $0x0  }
0xed: {  	[sflag:s15] =	ssyncadd.s32 $0xFFFFC000  }
0xee: {  	_ =	swait.ge [sflag:s14], $0x4000  }
0xef: {  	[sflag:s14] =	ssyncset.done $0x0  }
0xf0: {  	[sflag:s14] =	ssyncadd.s32 $0xFFFFC000  }
0xf1: {  	_ =	swait.ge [sflag:s5], $0x4000  }
0xf2: {  	[sflag:s5] =	ssyncset.done $0x0  }
0xf3: {  	[sflag:s5] =	ssyncadd.s32 $0xFFFFC000  }
0xf4: {  	_ =	swait.ge [sflag:s7], $0x4000  }
0xf5: {  	[sflag:s7] =	ssyncset.done $0x0  }
0xf6: {  	[sflag:s7] =	ssyncadd.s32 $0xFFFFC000  }
0xf7: {  	_ =	sfence.sel $0x180000  }
0xf8: {  	[bflag:$0x0] =	sbarrier.arrive $0xFFFF  }
0xf9: {  	_ =	strace $0x90000047  }
0xfa: {  	s31 =	stileid.u32;
	[bflag:$0x2] =	sbarrier.arrive $0xFFFF  }
0xfb: {  	p0 =	sne.s32 s31, $0x0;
	s0 =	rddreg [dreg:$0x5]  }
0xfc: {  	s0 =	sadd.s32 @!p0 $0x100000, s0  }
0xfd: {  	[sflag:s0] =	ssyncadd.tile.s32 @!p0 $0x1;
	_ =	shalt  }
.Lfunc_end2:
_tile_overlayer_lowered:
.L_overlay_start_2:
0xfe: {  	(tag) =	ssettag $0x2  }
0xff: {  	s0 =	rddreg [dreg:$0x0];
	s2 =	stileid.u32  }
0x100: {  	s1 =	rddreg [dreg:$0x1];
	p0 =	sne.s32 s2, $0x0  }
0x101: {  	s3 =	rddreg [dreg:$0x2];
	[bflag:$0x3] =	sbarrier.arrive $0xFFFF;
	s2 =	simm.s32 @!p0 $0x1C0D  }
0x102: {  	[timem:s3], [sflag:s2] =	dma.local @!p0 [hbm:s0], s1  }
0x103: {  	s0 =	simm.s32 @!p0 $0xD  }
0x104: {  	_ =	swait.ge @!p0 [sflag:s0], s1  }
0x105: {  	s1 =	ssub.s32 @!p0 $0x0, s1;
	[sflag:s0] =	ssyncset.done @!p0 $0x0  }
0x106: {  	[sflag:s0] =	ssyncadd.s32 @!p0 s1  }
0x107: {  	[bflag:$0x3] =	sbarrier.arrive $0xFFFF  }
0x108: {  	_ =	shalt  }

</sc_bundles>
